<compile_context>
chip_gen: v7x
topology: tpu7x:2x2x1
jax: 0.10.2.dev20260603
libtpu: 0.0.44.dev20260713+nightly
codegen_flags: <defaults>
</compile_context>

<pallas_src>
import functools

import jax
import jax.numpy as jnp
from jax import lax
from jax.experimental import pallas as pl
from jax.experimental.pallas import tpu as pltpu
from jax.experimental.pallas import tpu_sc as plsc

B = 4096
S = 200
E = 128
V = 100000
H = 512
O = 2

NC, NS = 2, 16
NW = NC * NS
BPW = B // NW
CHS = (72, 64, 64)
OFFS = (0, 72, 136)
NPAIR = 3
LOOPR = BPW - BPW % NPAIR
LANES = 16


def _sc_mean(idx, table):
    mesh = plsc.VectorSubcoreMesh(core_axis_name="c", subcore_axis_name="s")

    @functools.partial(
        pl.kernel,
        mesh=mesh,
        out_type=jax.ShapeDtypeStruct((B, E), jnp.float32),
        scratch_types=[
            pltpu.VMEM((BPW * S,), jnp.int32),
            pltpu.VMEM((CHS[0], E), jnp.float32),
            pltpu.VMEM((CHS[1], E), jnp.float32),
            pltpu.VMEM((CHS[2], E), jnp.float32),
            pltpu.VMEM((CHS[0], E), jnp.float32),
            pltpu.VMEM((CHS[1], E), jnp.float32),
            pltpu.VMEM((CHS[2], E), jnp.float32),
            pltpu.VMEM((CHS[0], E), jnp.float32),
            pltpu.VMEM((CHS[1], E), jnp.float32),
            pltpu.VMEM((CHS[2], E), jnp.float32),
            pltpu.VMEM((BPW, E), jnp.float32),
            pltpu.SemaphoreType.DMA,
            pltpu.SemaphoreType.DMA,
            pltpu.SemaphoreType.DMA,
        ],
    )
    def k(table_hbm, idx_hbm, out_hbm, idx_v, ra0, ra1, ra2, rb0, rb1, rb2,
          rc0, rc1, rc2, out_v, sem_a, sem_b, sem_c):
        wid = lax.axis_index("s") * NC + lax.axis_index("c")
        base = wid * BPW
        pairs = ((ra0, ra1, ra2, sem_a), (rb0, rb1, rb2, sem_b),
                 (rc0, rc1, rc2, sem_c))

        pltpu.sync_copy(idx_hbm.at[pl.ds(base * S, BPW * S)], idx_v)

        def issue(b, pair):
            sem = pair[3]
            off = pl.multiple_of(b * S, 8)
            for t in range(3):
                pltpu.async_copy(
                    table_hbm.at[idx_v.at[pl.ds(off + OFFS[t], CHS[t])]],
                    pair[t], sem)

        def wait(pair):
            sem = pair[3]
            for t in range(3):
                pltpu.make_async_copy(table_hbm.at[pl.ds(0, CHS[t])],
                                      pair[t], sem).wait()

        def reduce_into(b, pair):
            accs = tuple(
                jnp.zeros((LANES,), jnp.float32) for _ in range(E // LANES))
            for t in range(3):
                rt = pair[t]

                def body(r, accs, rt=rt):
                    return tuple(
                        accs[c] + rt[r, pl.ds(c * LANES, LANES)]
                        for c in range(E // LANES)
                    )

                accs = lax.fori_loop(0, CHS[t], body, accs)
            for c in range(E // LANES):
                out_v[b, pl.ds(c * LANES, LANES)] = accs[c] * (1.0 / S)

        for j in range(NPAIR):
            issue(j, pairs[j])

        @pl.loop(0, LOOPR, step=NPAIR)
        def _(b):
            for j in range(NPAIR):
                wait(pairs[j])
                reduce_into(b + j, pairs[j])
                raw = b + NPAIR + j
                nxt = jnp.where(raw >= BPW, j, raw)
                issue(nxt, pairs[j])

        for j in range(NPAIR):
            wait(pairs[j])
            if j < BPW % NPAIR:
                reduce_into(LOOPR + j, pairs[j])

        pltpu.sync_copy(out_v, out_hbm.at[pl.ds(base, BPW)])

    return k(table, idx)


def _tc_mlp(avg, W1, b1, W2, b2):
    BB = 512

    def body(x_ref, w1_ref, b1_ref, w2_ref, b2_ref, o_ref):
        x = x_ref[...]
        h = jnp.dot(x, w1_ref[...], preferred_element_type=jnp.float32)
        h = jnp.maximum(h + b1_ref[...], 0.0)
        logits = jnp.dot(h, w2_ref[...], preferred_element_type=jnp.float32)
        logits = logits + b2_ref[...]
        m = jnp.max(logits, axis=-1, keepdims=True)
        e = jnp.exp(logits - m)
        lse = m + jnp.log(jnp.sum(e, axis=-1, keepdims=True))
        o_ref[...] = logits - lse

    return pl.pallas_call(
        body,
        grid=(B // BB,),
        in_specs=[
            pl.BlockSpec((BB, E), lambda i: (i, 0)),
            pl.BlockSpec((E, H), lambda i: (0, 0)),
            pl.BlockSpec((1, H), lambda i: (0, 0)),
            pl.BlockSpec((H, O), lambda i: (0, 0)),
            pl.BlockSpec((1, O), lambda i: (0, 0)),
        ],
        out_specs=pl.BlockSpec((BB, O), lambda i: (i, 0)),
        out_shape=jax.ShapeDtypeStruct((B, O), jnp.float32),
    )(avg, W1, b1.reshape(1, H), W2, b2.reshape(1, O))


def kernel(word_indices, table, W1, b1, W2, b2):
    idx = word_indices.astype(jnp.int32).reshape(B * S)
    avg = _sc_mean(idx, table)
    return _tc_mlp(avg, W1, b1, W2, b2)

# --- scband reference (transcript-rebuilt; emitter-appended) ---
"""Pipeline reference for scband-deep-averaging-network-9131100472092 (READ-ONLY COPY).

The authoritative reference and input builder live on the scoring server;
editing this copy changes nothing except your own understanding.
"""

import jax, jax.numpy as jnp
import numpy as np

VOCAB = 100000
EMBED = 128
HIDDEN = 512
OUT = 2
BATCH = 4096
SEQ = 200


def setup_inputs(seed: int = 0) -> dict:
    key = jax.random.key(seed)
    k_idx, k_tab, k_w1, k_b1, k_w2, k_b2 = jax.random.split(key, 6)
    word_indices = jax.random.randint(k_idx, (BATCH, SEQ), 0, VOCAB, dtype=jnp.int64 if jax.config.jax_enable_x64 else jnp.int32)
    table = jax.random.normal(k_tab, (VOCAB, EMBED), dtype=jnp.float32)
    # nn.Linear-style init (kaiming-uniform-ish bounds)
    lim1 = 1.0 / np.sqrt(EMBED)
    W1 = jax.random.uniform(k_w1, (EMBED, HIDDEN), dtype=jnp.float32, minval=-lim1, maxval=lim1)
    b1 = jax.random.uniform(k_b1, (HIDDEN,), dtype=jnp.float32, minval=-lim1, maxval=lim1)
    lim2 = 1.0 / np.sqrt(HIDDEN)
    W2 = jax.random.uniform(k_w2, (HIDDEN, OUT), dtype=jnp.float32, minval=-lim2, maxval=lim2)
    b2 = jax.random.uniform(k_b2, (OUT,), dtype=jnp.float32, minval=-lim2, maxval=lim2)
    return {"word_indices": word_indices, "table": table, "W1": W1, "b1": b1, "W2": W2, "b2": b2}


def reference(word_indices, table, W1, b1, W2, b2):
    # embedding lookup (gather)
    embeddings = jnp.take(table, word_indices, axis=0)          # [B, S, E]
    averaged = jnp.mean(embeddings, axis=1)                      # [B, E]
    hidden = jax.nn.relu(averaged @ W1 + b1)                     # [B, H]
    logits = hidden @ W2 + b2                                    # [B, O]
    log_probs = jax.nn.log_softmax(logits, axis=1)
    return log_probs

if __name__ == "__main__":
    import jax
    _d = setup_inputs()
    print(jax.jit(kernel)(*tuple(_d.values())))

</pallas_src>

<mosaic_0001>
#map = affine_map<(d0, d1) -> (0, 0)>
#map1 = affine_map<(d0, d1) -> (0)>
module attributes {stable_mosaic.version = 14 : i64} {
  func.func @k(%arg0: i32, %arg1: i32, %arg2: memref<100000x128xf32, #tpu.memory_space<hbm>>, %arg3: memref<819200xi32, #tpu.memory_space<hbm>>, %arg4: memref<4096x128xf32, #tpu.memory_space<hbm>>, %arg5: memref<25600xi32, #tpu.memory_space<vmem>>, %arg6: memref<72x128xf32, #tpu.memory_space<vmem>>, %arg7: memref<64x128xf32, #tpu.memory_space<vmem>>, %arg8: memref<64x128xf32, #tpu.memory_space<vmem>>, %arg9: memref<72x128xf32, #tpu.memory_space<vmem>>, %arg10: memref<64x128xf32, #tpu.memory_space<vmem>>, %arg11: memref<64x128xf32, #tpu.memory_space<vmem>>, %arg12: memref<72x128xf32, #tpu.memory_space<vmem>>, %arg13: memref<64x128xf32, #tpu.memory_space<vmem>>, %arg14: memref<64x128xf32, #tpu.memory_space<vmem>>, %arg15: memref<128x128xf32, #tpu.memory_space<vmem>>, %arg16: memref<!tpu.dma_semaphore, #tpu.memory_space<semaphore_mem>>, %arg17: memref<!tpu.dma_semaphore, #tpu.memory_space<semaphore_mem>>, %arg18: memref<!tpu.dma_semaphore, #tpu.memory_space<semaphore_mem>>) attributes {dimension_semantics = [#tpu.dimension_semantics<core_parallel>, #tpu.dimension_semantics<subcore_parallel>], iteration_bounds = array<i64: 2, 16>, scalar_prefetch = 0 : i64, scratch_operands = 14 : i64, tpu.core_type = #tpu.core_type<sc_vector_subcore>, window_params = [{transform_indices = #map}, {transform_indices = #map1}, {transform_indices = #map}]} {
    %mul3A = arith.constant 2 : i32
    %mul3A_0 = arith.muli %arg1, %mul3A : i32
    %add3A = arith.addi %mul3A_0, %arg0 : i32
    %mul3A_1 = arith.constant 128 : i32
    %mul3A_2 = arith.muli %add3A, %mul3A_1 : i32
    %mul3A_3 = arith.constant 200 : i32
    %mul3A_4 = arith.muli %mul3A_2, %mul3A_3 : i32
    "tpu.region"() ({
      %run_scoped3A = tpu.sem_alloc : memref<!tpu.dma_semaphore, #tpu.memory_space<semaphore_mem>>
      %dma_start3A_330 = tpu.memref_slice %arg3[%mul3A_4] : memref<819200xi32, #tpu.memory_space<hbm>> -> memref<25600xi32, #tpu.memory_space<hbm>>
      %dma_start3A_331 = tpu.memref_slice %arg3[%mul3A_4] : memref<819200xi32, #tpu.memory_space<hbm>> -> memref<25600xi32, #tpu.memory_space<hbm>>
      tpu.enqueue_dma source(%dma_start3A_331 : memref<25600xi32, #tpu.memory_space<hbm>>) target(%arg5 : memref<25600xi32, #tpu.memory_space<vmem>>) target_semaphore(%run_scoped3A : memref<!tpu.dma_semaphore, #tpu.memory_space<semaphore_mem>>)
      %dma_wait3A_332 = tpu.memref_slice %arg3[%mul3A_4] : memref<819200xi32, #tpu.memory_space<hbm>> -> memref<25600xi32, #tpu.memory_space<hbm>>
      %dma_wait3A_333 = tpu.memref_slice %arg3[%mul3A_4] : memref<819200xi32, #tpu.memory_space<hbm>> -> memref<25600xi32, #tpu.memory_space<hbm>>
      tpu.wait_dma2 semaphore(%run_scoped3A : memref<!tpu.dma_semaphore, #tpu.memory_space<semaphore_mem>>) src(%dma_wait3A_333 : memref<25600xi32, #tpu.memory_space<hbm>>) dst(%arg5 : memref<25600xi32, #tpu.memory_space<vmem>>)
      tpu.yield
    }) : () -> ()
    %multiple_of3A = arith.constant 0 : i32
    %multiple_of3A_5 = tpu.assume_multiple %multiple_of3A, 8 : i32
    %add3A_6 = arith.constant 0 : i32
    %add3A_7 = arith.addi %multiple_of3A_5, %add3A_6 : i32
    %dma_start3A = tpu.memref_slice %arg5[%add3A_7] : memref<25600xi32, #tpu.memory_space<vmem>> -> memref<72xi32, #tpu.memory_space<vmem>>
    %dma_start3A_8 = arith.constant 0 : i32
    %dma_start3A_9 = arith.constant 0 : i32
    %dma_start3A_10 = tpu.memref_slice %arg2[%dma_start3A_8, %dma_start3A_9] : memref<100000x128xf32, #tpu.memory_space<hbm>> -> memref<100000x128xf32, #tpu.memory_space<hbm>>
    tpu.enqueue_indirect_dma source(%dma_start3A_10 : memref<100000x128xf32, #tpu.memory_space<hbm>>) target(%arg6 : memref<72x128xf32, #tpu.memory_space<vmem>>) offsets(%dma_start3A : memref<72xi32, #tpu.memory_space<vmem>>) semaphore(%arg16 : memref<!tpu.dma_semaphore, #tpu.memory_space<semaphore_mem>>)
    %add3A_11 = arith.constant 72 : i32
    %add3A_12 = arith.addi %multiple_of3A_5, %add3A_11 : i32
    %dma_start3A_13 = tpu.memref_slice %arg5[%add3A_12] : memref<25600xi32, #tpu.memory_space<vmem>> -> memref<64xi32, #tpu.memory_space<vmem>>
    %dma_start3A_14 = arith.constant 0 : i32
    %dma_start3A_15 = arith.constant 0 : i32
    %dma_start3A_16 = tpu.memref_slice %arg2[%dma_start3A_14, %dma_start3A_15] : memref<100000x128xf32, #tpu.memory_space<hbm>> -> memref<100000x128xf32, #tpu.memory_space<hbm>>
    tpu.enqueue_indirect_dma source(%dma_start3A_16 : memref<100000x128xf32, #tpu.memory_space<hbm>>) target(%arg7 : memref<64x128xf32, #tpu.memory_space<vmem>>) offsets(%dma_start3A_13 : memref<64xi32, #tpu.memory_space<vmem>>) semaphore(%arg16 : memref<!tpu.dma_semaphore, #tpu.memory_space<semaphore_mem>>)
    %add3A_17 = arith.constant 136 : i32
    %add3A_18 = arith.addi %multiple_of3A_5, %add3A_17 : i32
    %dma_start3A_19 = tpu.memref_slice %arg5[%add3A_18] : memref<25600xi32, #tpu.memory_space<vmem>> -> memref<64xi32, #tpu.memory_space<vmem>>
    %dma_start3A_20 = arith.constant 0 : i32
    %dma_start3A_21 = arith.constant 0 : i32
    %dma_start3A_22 = tpu.memref_slice %arg2[%dma_start3A_20, %dma_start3A_21] : memref<100000x128xf32, #tpu.memory_space<hbm>> -> memref<100000x128xf32, #tpu.memory_space<hbm>>
    tpu.enqueue_indirect_dma source(%dma_start3A_22 : memref<100000x128xf32, #tpu.memory_space<hbm>>) target(%arg8 : memref<64x128xf32, #tpu.memory_space<vmem>>) offsets(%dma_start3A_19 : memref<64xi32, #tpu.memory_space<vmem>>) semaphore(%arg16 : memref<!tpu.dma_semaphore, #tpu.memory_space<semaphore_mem>>)
    %multiple_of3A_23 = arith.constant 200 : i32
    %multiple_of3A_24 = tpu.assume_multiple %multiple_of3A_23, 8 : i32
    %add3A_25 = arith.constant 0 : i32
    %add3A_26 = arith.addi %multiple_of3A_24, %add3A_25 : i32
    %dma_start3A_27 = tpu.memref_slice %arg5[%add3A_26] : memref<25600xi32, #tpu.memory_space<vmem>> -> memref<72xi32, #tpu.memory_space<vmem>>
    %dma_start3A_28 = arith.constant 0 : i32
    %dma_start3A_29 = arith.constant 0 : i32
    %dma_start3A_30 = tpu.memref_slice %arg2[%dma_start3A_28, %dma_start3A_29] : memref<100000x128xf32, #tpu.memory_space<hbm>> -> memref<100000x128xf32, #tpu.memory_space<hbm>>
    tpu.enqueue_indirect_dma source(%dma_start3A_30 : memref<100000x128xf32, #tpu.memory_space<hbm>>) target(%arg9 : memref<72x128xf32, #tpu.memory_space<vmem>>) offsets(%dma_start3A_27 : memref<72xi32, #tpu.memory_space<vmem>>) semaphore(%arg17 : memref<!tpu.dma_semaphore, #tpu.memory_space<semaphore_mem>>)
    %add3A_31 = arith.constant 72 : i32
    %add3A_32 = arith.addi %multiple_of3A_24, %add3A_31 : i32
    %dma_start3A_33 = tpu.memref_slice %arg5[%add3A_32] : memref<25600xi32, #tpu.memory_space<vmem>> -> memref<64xi32, #tpu.memory_space<vmem>>
    %dma_start3A_34 = arith.constant 0 : i32
    %dma_start3A_35 = arith.constant 0 : i32
    %dma_start3A_36 = tpu.memref_slice %arg2[%dma_start3A_34, %dma_start3A_35] : memref<100000x128xf32, #tpu.memory_space<hbm>> -> memref<100000x128xf32, #tpu.memory_space<hbm>>
    tpu.enqueue_indirect_dma source(%dma_start3A_36 : memref<100000x128xf32, #tpu.memory_space<hbm>>) target(%arg10 : memref<64x128xf32, #tpu.memory_space<vmem>>) offsets(%dma_start3A_33 : memref<64xi32, #tpu.memory_space<vmem>>) semaphore(%arg17 : memref<!tpu.dma_semaphore, #tpu.memory_space<semaphore_mem>>)
    %add3A_37 = arith.constant 136 : i32
    %add3A_38 = arith.addi %multiple_of3A_24, %add3A_37 : i32
    %dma_start3A_39 = tpu.memref_slice %arg5[%add3A_38] : memref<25600xi32, #tpu.memory_space<vmem>> -> memref<64xi32, #tpu.memory_space<vmem>>
    %dma_start3A_40 = arith.constant 0 : i32
    %dma_start3A_41 = arith.constant 0 : i32
    %dma_start3A_42 = tpu.memref_slice %arg2[%dma_start3A_40, %dma_start3A_41] : memref<100000x128xf32, #tpu.memory_space<hbm>> -> memref<100000x128xf32, #tpu.memory_space<hbm>>
    tpu.enqueue_indirect_dma source(%dma_start3A_42 : memref<100000x128xf32, #tpu.memory_space<hbm>>) target(%arg11 : memref<64x128xf32, #tpu.memory_space<vmem>>) offsets(%dma_start3A_39 : memref<64xi32, #tpu.memory_space<vmem>>) semaphore(%arg17 : memref<!tpu.dma_semaphore, #tpu.memory_space<semaphore_mem>>)
    %multiple_of3A_43 = arith.constant 400 : i32
    %multiple_of3A_44 = tpu.assume_multiple %multiple_of3A_43, 8 : i32
    %add3A_45 = arith.constant 0 : i32
    %add3A_46 = arith.addi %multiple_of3A_44, %add3A_45 : i32
    %dma_start3A_47 = tpu.memref_slice %arg5[%add3A_46] : memref<25600xi32, #tpu.memory_space<vmem>> -> memref<72xi32, #tpu.memory_space<vmem>>
    %dma_start3A_48 = arith.constant 0 : i32
    %dma_start3A_49 = arith.constant 0 : i32
    %dma_start3A_50 = tpu.memref_slice %arg2[%dma_start3A_48, %dma_start3A_49] : memref<100000x128xf32, #tpu.memory_space<hbm>> -> memref<100000x128xf32, #tpu.memory_space<hbm>>
    tpu.enqueue_indirect_dma source(%dma_start3A_50 : memref<100000x128xf32, #tpu.memory_space<hbm>>) target(%arg12 : memref<72x128xf32, #tpu.memory_space<vmem>>) offsets(%dma_start3A_47 : memref<72xi32, #tpu.memory_space<vmem>>) semaphore(%arg18 : memref<!tpu.dma_semaphore, #tpu.memory_space<semaphore_mem>>)
    %add3A_51 = arith.constant 72 : i32
    %add3A_52 = arith.addi %multiple_of3A_44, %add3A_51 : i32
    %dma_start3A_53 = tpu.memref_slice %arg5[%add3A_52] : memref<25600xi32, #tpu.memory_space<vmem>> -> memref<64xi32, #tpu.memory_space<vmem>>
    %dma_start3A_54 = arith.constant 0 : i32
    %dma_start3A_55 = arith.constant 0 : i32
    %dma_start3A_56 = tpu.memref_slice %arg2[%dma_start3A_54, %dma_start3A_55] : memref<100000x128xf32, #tpu.memory_space<hbm>> -> memref<100000x128xf32, #tpu.memory_space<hbm>>
    tpu.enqueue_indirect_dma source(%dma_start3A_56 : memref<100000x128xf32, #tpu.memory_space<hbm>>) target(%arg13 : memref<64x128xf32, #tpu.memory_space<vmem>>) offsets(%dma_start3A_53 : memref<64xi32, #tpu.memory_space<vmem>>) semaphore(%arg18 : memref<!tpu.dma_semaphore, #tpu.memory_space<semaphore_mem>>)
    %add3A_57 = arith.constant 136 : i32
    %add3A_58 = arith.addi %multiple_of3A_44, %add3A_57 : i32
    %dma_start3A_59 = tpu.memref_slice %arg5[%add3A_58] : memref<25600xi32, #tpu.memory_space<vmem>> -> memref<64xi32, #tpu.memory_space<vmem>>
    %dma_start3A_60 = arith.constant 0 : i32
    %dma_start3A_61 = arith.constant 0 : i32
    %dma_start3A_62 = tpu.memref_slice %arg2[%dma_start3A_60, %dma_start3A_61] : memref<100000x128xf32, #tpu.memory_space<hbm>> -> memref<100000x128xf32, #tpu.memory_space<hbm>>
    tpu.enqueue_indirect_dma source(%dma_start3A_62 : memref<100000x128xf32, #tpu.memory_space<hbm>>) target(%arg14 : memref<64x128xf32, #tpu.memory_space<vmem>>) offsets(%dma_start3A_59 : memref<64xi32, #tpu.memory_space<vmem>>) semaphore(%arg18 : memref<!tpu.dma_semaphore, #tpu.memory_space<semaphore_mem>>)
    %scan3A = arith.constant 0 : i32
    %scan3A_63 = arith.constant 42 : i32
    %scan3A_64 = arith.addi %scan3A, %scan3A_63 : i32
    %scan3A_65 = arith.constant 1 : i32
    scf.for %scan3A_330 = %scan3A to %scan3A_64 step %scan3A_65  : i32 {
      %mul3A_331 = arith.constant 3 : i32
      %mul3A_332 = arith.muli %scan3A_330, %mul3A_331 : i32
      %add3A_333 = arith.constant 0 : i32
      %add3A_334 = arith.addi %add3A_333, %mul3A_332 : i32
      %dma_wait3A_335 = arith.constant 0 : i32
      %dma_wait3A_336 = arith.constant 0 : i32
      %dma_wait3A_337 = tpu.memref_slice %arg2[%dma_wait3A_335, %dma_wait3A_336] : memref<100000x128xf32, #tpu.memory_space<hbm>> -> memref<72x128xf32, #tpu.memory_space<hbm>>
      %dma_wait3A_338 = arith.constant 0 : i32
      %dma_wait3A_339 = arith.constant 0 : i32
      %dma_wait3A_340 = tpu.memref_slice %arg2[%dma_wait3A_338, %dma_wait3A_339] : memref<100000x128xf32, #tpu.memory_space<hbm>> -> memref<72x128xf32, #tpu.memory_space<hbm>>
      tpu.wait_dma2 semaphore(%arg16 : memref<!tpu.dma_semaphore, #tpu.memory_space<semaphore_mem>>) src(%dma_wait3A_340 : memref<72x128xf32, #tpu.memory_space<hbm>>) dst(%arg6 : memref<72x128xf32, #tpu.memory_space<vmem>>)
      %dma_wait3A_341 = arith.constant 0 : i32
      %dma_wait3A_342 = arith.constant 0 : i32
      %dma_wait3A_343 = tpu.memref_slice %arg2[%dma_wait3A_341, %dma_wait3A_342] : memref<100000x128xf32, #tpu.memory_space<hbm>> -> memref<64x128xf32, #tpu.memory_space<hbm>>
      %dma_wait3A_344 = arith.constant 0 : i32
      %dma_wait3A_345 = arith.constant 0 : i32
      %dma_wait3A_346 = tpu.memref_slice %arg2[%dma_wait3A_344, %dma_wait3A_345] : memref<100000x128xf32, #tpu.memory_space<hbm>> -> memref<64x128xf32, #tpu.memory_space<hbm>>
      tpu.wait_dma2 semaphore(%arg16 : memref<!tpu.dma_semaphore, #tpu.memory_space<semaphore_mem>>) src(%dma_wait3A_346 : memref<64x128xf32, #tpu.memory_space<hbm>>) dst(%arg7 : memref<64x128xf32, #tpu.memory_space<vmem>>)
      %dma_wait3A_347 = arith.constant 0 : i32
      %dma_wait3A_348 = arith.constant 0 : i32
      %dma_wait3A_349 = tpu.memref_slice %arg2[%dma_wait3A_347, %dma_wait3A_348] : memref<100000x128xf32, #tpu.memory_space<hbm>> -> memref<64x128xf32, #tpu.memory_space<hbm>>
      %dma_wait3A_350 = arith.constant 0 : i32
      %dma_wait3A_351 = arith.constant 0 : i32
      %dma_wait3A_352 = tpu.memref_slice %arg2[%dma_wait3A_350, %dma_wait3A_351] : memref<100000x128xf32, #tpu.memory_space<hbm>> -> memref<64x128xf32, #tpu.memory_space<hbm>>
      tpu.wait_dma2 semaphore(%arg16 : memref<!tpu.dma_semaphore, #tpu.memory_space<semaphore_mem>>) src(%dma_wait3A_352 : memref<64x128xf32, #tpu.memory_space<hbm>>) dst(%arg8 : memref<64x128xf32, #tpu.memory_space<vmem>>)
      %add3A_353 = arith.constant 0 : i32
      %add3A_354 = arith.addi %add3A_334, %add3A_353 : i32
      %broadcast_in_dim3A_355 = arith.constant 0.000000e+00 : f32
      %broadcast_in_dim3A_356 = vector.broadcast %broadcast_in_dim3A_355 : f32 to vector<16xf32>
      %broadcast_in_dim3A_357 = arith.constant 0.000000e+00 : f32
      %broadcast_in_dim3A_358 = vector.broadcast %broadcast_in_dim3A_357 : f32 to vector<16xf32>
      %broadcast_in_dim3A_359 = arith.constant 0.000000e+00 : f32
      %broadcast_in_dim3A_360 = vector.broadcast %broadcast_in_dim3A_359 : f32 to vector<16xf32>
      %broadcast_in_dim3A_361 = arith.constant 0.000000e+00 : f32
      %broadcast_in_dim3A_362 = vector.broadcast %broadcast_in_dim3A_361 : f32 to vector<16xf32>
      %broadcast_in_dim3A_363 = arith.constant 0.000000e+00 : f32
      %broadcast_in_dim3A_364 = vector.broadcast %broadcast_in_dim3A_363 : f32 to vector<16xf32>
      %broadcast_in_dim3A_365 = arith.constant 0.000000e+00 : f32
      %broadcast_in_dim3A_366 = vector.broadcast %broadcast_in_dim3A_365 : f32 to vector<16xf32>
      %broadcast_in_dim3A_367 = arith.constant 0.000000e+00 : f32
      %broadcast_in_dim3A_368 = vector.broadcast %broadcast_in_dim3A_367 : f32 to vector<16xf32>
      %broadcast_in_dim3A_369 = arith.constant 0.000000e+00 : f32
      %broadcast_in_dim3A_370 = vector.broadcast %broadcast_in_dim3A_369 : f32 to vector<16xf32>
      %scan3A_371 = arith.constant 0 : i32
      %scan3A_372 = arith.constant 72 : i32
      %scan3A_373 = arith.addi %scan3A_371, %scan3A_372 : i32
      %scan3A_374 = arith.constant 1 : i32
      %scan3A_375:8 = scf.for %scan3A_773 = %scan3A_371 to %scan3A_373 step %scan3A_374 iter_args(%scan3A_774 = %broadcast_in_dim3A_356, %scan3A_775 = %broadcast_in_dim3A_358, %scan3A_776 = %broadcast_in_dim3A_360, %scan3A_777 = %broadcast_in_dim3A_362, %scan3A_778 = %broadcast_in_dim3A_364, %scan3A_779 = %broadcast_in_dim3A_366, %scan3A_780 = %broadcast_in_dim3A_368, %scan3A_781 = %broadcast_in_dim3A_370) -> (vector<16xf32>, vector<16xf32>, vector<16xf32>, vector<16xf32>, vector<16xf32>, vector<16xf32>, vector<16xf32>, vector<16xf32>)  : i32 {
        %get3A = arith.index_cast %scan3A_773 : i32 to index
        %get3A_782 = arith.constant 0 : index
        %get3A_783 = tpu.vector_load %arg6[%get3A, %get3A_782] {strides = array<i32>} : memref<72x128xf32, #tpu.memory_space<vmem>>, vector<1x16xf32>,
        %get3A_784 = vector.shape_cast %get3A_783 : vector<1x16xf32> to vector<16xf32>
        %add3A_785 = arith.addf %scan3A_774, %get3A_784 : vector<16xf32>
        %get3A_786 = arith.index_cast %scan3A_773 : i32 to index
        %get3A_787 = arith.constant 16 : index
        %get3A_788 = tpu.vector_load %arg6[%get3A_786, %get3A_787] {strides = array<i32>} : memref<72x128xf32, #tpu.memory_space<vmem>>, vector<1x16xf32>,
        %get3A_789 = vector.shape_cast %get3A_788 : vector<1x16xf32> to vector<16xf32>
        %add3A_790 = arith.addf %scan3A_775, %get3A_789 : vector<16xf32>
        %get3A_791 = arith.index_cast %scan3A_773 : i32 to index
        %get3A_792 = arith.constant 32 : index
        %get3A_793 = tpu.vector_load %arg6[%get3A_791, %get3A_792] {strides = array<i32>} : memref<72x128xf32, #tpu.memory_space<vmem>>, vector<1x16xf32>,
        %get3A_794 = vector.shape_cast %get3A_793 : vector<1x16xf32> to vector<16xf32>
        %add3A_795 = arith.addf %scan3A_776, %get3A_794 : vector<16xf32>
        %get3A_796 = arith.index_cast %scan3A_773 : i32 to index
        %get3A_797 = arith.constant 48 : index
        %get3A_798 = tpu.vector_load %arg6[%get3A_796, %get3A_797] {strides = array<i32>} : memref<72x128xf32, #tpu.memory_space<vmem>>, vector<1x16xf32>,
        %get3A_799 = vector.shape_cast %get3A_798 : vector<1x16xf32> to vector<16xf32>
        %add3A_800 = arith.addf %scan3A_777, %get3A_799 : vector<16xf32>
        %get3A_801 = arith.index_cast %scan3A_773 : i32 to index
        %get3A_802 = arith.constant 64 : index
        %get3A_803 = tpu.vector_load %arg6[%get3A_801, %get3A_802] {strides = array<i32>} : memref<72x128xf32, #tpu.memory_space<vmem>>, vector<1x16xf32>,
        %get3A_804 = vector.shape_cast %get3A_803 : vector<1x16xf32> to vector<16xf32>
        %add3A_805 = arith.addf %scan3A_778, %get3A_804 : vector<16xf32>
        %get3A_806 = arith.index_cast %scan3A_773 : i32 to index
        %get3A_807 = arith.constant 80 : index
        %get3A_808 = tpu.vector_load %arg6[%get3A_806, %get3A_807] {strides = array<i32>} : memref<72x128xf32, #tpu.memory_space<vmem>>, vector<1x16xf32>,
        %get3A_809 = vector.shape_cast %get3A_808 : vector<1x16xf32> to vector<16xf32>
        %add3A_810 = arith.addf %scan3A_779, %get3A_809 : vector<16xf32>
        %get3A_811 = arith.index_cast %scan3A_773 : i32 to index
        %get3A_812 = arith.constant 96 : index
        %get3A_813 = tpu.vector_load %arg6[%get3A_811, %get3A_812] {strides = array<i32>} : memref<72x128xf32, #tpu.memory_space<vmem>>, vector<1x16xf32>,
        %get3A_814 = vector.shape_cast %get3A_813 : vector<1x16xf32> to vector<16xf32>
        %add3A_815 = arith.addf %scan3A_780, %get3A_814 : vector<16xf32>
        %get3A_816 = arith.index_cast %scan3A_773 : i32 to index
        %get3A_817 = arith.constant 112 : index
        %get3A_818 = tpu.vector_load %arg6[%get3A_816, %get3A_817] {strides = array<i32>} : memref<72x128xf32, #tpu.memory_space<vmem>>, vector<1x16xf32>,
        %get3A_819 = vector.shape_cast %get3A_818 : vector<1x16xf32> to vector<16xf32>
        %add3A_820 = arith.addf %scan3A_781, %get3A_819 : vector<16xf32>
        scf.yield %add3A_785, %add3A_790, %add3A_795, %add3A_800, %add3A_805, %add3A_810, %add3A_815, %add3A_820 : vector<16xf32>, vector<16xf32>, vector<16xf32>, vector<16xf32>, vector<16xf32>, vector<16xf32>, vector<16xf32>, vector<16xf32>
      }
      %scan3A_376 = arith.constant 72 : i32
      %scan3A_377 = arith.constant 0 : i32
      %scan3A_378 = arith.constant 64 : i32
      %scan3A_379 = arith.addi %scan3A_377, %scan3A_378 : i32
      %scan3A_380 = arith.constant 1 : i32
      %scan3A_381:8 = scf.for %scan3A_773 = %scan3A_377 to %scan3A_379 step %scan3A_380 iter_args(%scan3A_774 = %scan3A_375#0, %scan3A_775 = %scan3A_375#1, %scan3A_776 = %scan3A_375#2, %scan3A_777 = %scan3A_375#3, %scan3A_778 = %scan3A_375#4, %scan3A_779 = %scan3A_375#5, %scan3A_780 = %scan3A_375#6, %scan3A_781 = %scan3A_375#7) -> (vector<16xf32>, vector<16xf32>, vector<16xf32>, vector<16xf32>, vector<16xf32>, vector<16xf32>, vector<16xf32>, vector<16xf32>)  : i32 {
        %get3A = arith.index_cast %scan3A_773 : i32 to index
        %get3A_782 = arith.constant 0 : index
        %get3A_783 = tpu.vector_load %arg7[%get3A, %get3A_782] {strides = array<i32>} : memref<64x128xf32, #tpu.memory_space<vmem>>, vector<1x16xf32>,
        %get3A_784 = vector.shape_cast %get3A_783 : vector<1x16xf32> to vector<16xf32>
        %add3A_785 = arith.addf %scan3A_774, %get3A_784 : vector<16xf32>
        %get3A_786 = arith.index_cast %scan3A_773 : i32 to index
        %get3A_787 = arith.constant 16 : index
        %get3A_788 = tpu.vector_load %arg7[%get3A_786, %get3A_787] {strides = array<i32>} : memref<64x128xf32, #tpu.memory_space<vmem>>, vector<1x16xf32>,
        %get3A_789 = vector.shape_cast %get3A_788 : vector<1x16xf32> to vector<16xf32>
        %add3A_790 = arith.addf %scan3A_775, %get3A_789 : vector<16xf32>
        %get3A_791 = arith.index_cast %scan3A_773 : i32 to index
        %get3A_792 = arith.constant 32 : index
        %get3A_793 = tpu.vector_load %arg7[%get3A_791, %get3A_792] {strides = array<i32>} : memref<64x128xf32, #tpu.memory_space<vmem>>, vector<1x16xf32>,
        %get3A_794 = vector.shape_cast %get3A_793 : vector<1x16xf32> to vector<16xf32>
        %add3A_795 = arith.addf %scan3A_776, %get3A_794 : vector<16xf32>
        %get3A_796 = arith.index_cast %scan3A_773 : i32 to index
        %get3A_797 = arith.constant 48 : index
        %get3A_798 = tpu.vector_load %arg7[%get3A_796, %get3A_797] {strides = array<i32>} : memref<64x128xf32, #tpu.memory_space<vmem>>, vector<1x16xf32>,
        %get3A_799 = vector.shape_cast %get3A_798 : vector<1x16xf32> to vector<16xf32>
        %add3A_800 = arith.addf %scan3A_777, %get3A_799 : vector<16xf32>
        %get3A_801 = arith.index_cast %scan3A_773 : i32 to index
        %get3A_802 = arith.constant 64 : index
        %get3A_803 = tpu.vector_load %arg7[%get3A_801, %get3A_802] {strides = array<i32>} : memref<64x128xf32, #tpu.memory_space<vmem>>, vector<1x16xf32>,
        %get3A_804 = vector.shape_cast %get3A_803 : vector<1x16xf32> to vector<16xf32>
        %add3A_805 = arith.addf %scan3A_778, %get3A_804 : vector<16xf32>
        %get3A_806 = arith.index_cast %scan3A_773 : i32 to index
        %get3A_807 = arith.constant 80 : index
        %get3A_808 = tpu.vector_load %arg7[%get3A_806, %get3A_807] {strides = array<i32>} : memref<64x128xf32, #tpu.memory_space<vmem>>, vector<1x16xf32>,
        %get3A_809 = vector.shape_cast %get3A_808 : vector<1x16xf32> to vector<16xf32>
        %add3A_810 = arith.addf %scan3A_779, %get3A_809 : vector<16xf32>
        %get3A_811 = arith.index_cast %scan3A_773 : i32 to index
        %get3A_812 = arith.constant 96 : index
        %get3A_813 = tpu.vector_load %arg7[%get3A_811, %get3A_812] {strides = array<i32>} : memref<64x128xf32, #tpu.memory_space<vmem>>, vector<1x16xf32>,
        %get3A_814 = vector.shape_cast %get3A_813 : vector<1x16xf32> to vector<16xf32>
        %add3A_815 = arith.addf %scan3A_780, %get3A_814 : vector<16xf32>
        %get3A_816 = arith.index_cast %scan3A_773 : i32 to index
        %get3A_817 = arith.constant 112 : index
        %get3A_818 = tpu.vector_load %arg7[%get3A_816, %get3A_817] {strides = array<i32>} : memref<64x128xf32, #tpu.memory_space<vmem>>, vector<1x16xf32>,
        %get3A_819 = vector.shape_cast %get3A_818 : vector<1x16xf32> to vector<16xf32>
        %add3A_820 = arith.addf %scan3A_781, %get3A_819 : vector<16xf32>
        scf.yield %add3A_785, %add3A_790, %add3A_795, %add3A_800, %add3A_805, %add3A_810, %add3A_815, %add3A_820 : vector<16xf32>, vector<16xf32>, vector<16xf32>, vector<16xf32>, vector<16xf32>, vector<16xf32>, vector<16xf32>, vector<16xf32>
      }
      %scan3A_382 = arith.constant 64 : i32
      %scan3A_383 = arith.constant 0 : i32
      %scan3A_384 = arith.constant 64 : i32
      %scan3A_385 = arith.addi %scan3A_383, %scan3A_384 : i32
      %scan3A_386 = arith.constant 1 : i32
      %scan3A_387:8 = scf.for %scan3A_773 = %scan3A_383 to %scan3A_385 step %scan3A_386 iter_args(%scan3A_774 = %scan3A_381#0, %scan3A_775 = %scan3A_381#1, %scan3A_776 = %scan3A_381#2, %scan3A_777 = %scan3A_381#3, %scan3A_778 = %scan3A_381#4, %scan3A_779 = %scan3A_381#5, %scan3A_780 = %scan3A_381#6, %scan3A_781 = %scan3A_381#7) -> (vector<16xf32>, vector<16xf32>, vector<16xf32>, vector<16xf32>, vector<16xf32>, vector<16xf32>, vector<16xf32>, vector<16xf32>)  : i32 {
        %get3A = arith.index_cast %scan3A_773 : i32 to index
        %get3A_782 = arith.constant 0 : index
        %get3A_783 = tpu.vector_load %arg8[%get3A, %get3A_782] {strides = array<i32>} : memref<64x128xf32, #tpu.memory_space<vmem>>, vector<1x16xf32>,
        %get3A_784 = vector.shape_cast %get3A_783 : vector<1x16xf32> to vector<16xf32>
        %add3A_785 = arith.addf %scan3A_774, %get3A_784 : vector<16xf32>
        %get3A_786 = arith.index_cast %scan3A_773 : i32 to index
        %get3A_787 = arith.constant 16 : index
        %get3A_788 = tpu.vector_load %arg8[%get3A_786, %get3A_787] {strides = array<i32>} : memref<64x128xf32, #tpu.memory_space<vmem>>, vector<1x16xf32>,
        %get3A_789 = vector.shape_cast %get3A_788 : vector<1x16xf32> to vector<16xf32>
        %add3A_790 = arith.addf %scan3A_775, %get3A_789 : vector<16xf32>
        %get3A_791 = arith.index_cast %scan3A_773 : i32 to index
        %get3A_792 = arith.constant 32 : index
        %get3A_793 = tpu.vector_load %arg8[%get3A_791, %get3A_792] {strides = array<i32>} : memref<64x128xf32, #tpu.memory_space<vmem>>, vector<1x16xf32>,
        %get3A_794 = vector.shape_cast %get3A_793 : vector<1x16xf32> to vector<16xf32>
        %add3A_795 = arith.addf %scan3A_776, %get3A_794 : vector<16xf32>
        %get3A_796 = arith.index_cast %scan3A_773 : i32 to index
        %get3A_797 = arith.constant 48 : index
        %get3A_798 = tpu.vector_load %arg8[%get3A_796, %get3A_797] {strides = array<i32>} : memref<64x128xf32, #tpu.memory_space<vmem>>, vector<1x16xf32>,
        %get3A_799 = vector.shape_cast %get3A_798 : vector<1x16xf32> to vector<16xf32>
        %add3A_800 = arith.addf %scan3A_777, %get3A_799 : vector<16xf32>
        %get3A_801 = arith.index_cast %scan3A_773 : i32 to index
        %get3A_802 = arith.constant 64 : index
        %get3A_803 = tpu.vector_load %arg8[%get3A_801, %get3A_802] {strides = array<i32>} : memref<64x128xf32, #tpu.memory_space<vmem>>, vector<1x16xf32>,
        %get3A_804 = vector.shape_cast %get3A_803 : vector<1x16xf32> to vector<16xf32>
        %add3A_805 = arith.addf %scan3A_778, %get3A_804 : vector<16xf32>
        %get3A_806 = arith.index_cast %scan3A_773 : i32 to index
        %get3A_807 = arith.constant 80 : index
        %get3A_808 = tpu.vector_load %arg8[%get3A_806, %get3A_807] {strides = array<i32>} : memref<64x128xf32, #tpu.memory_space<vmem>>, vector<1x16xf32>,
        %get3A_809 = vector.shape_cast %get3A_808 : vector<1x16xf32> to vector<16xf32>
        %add3A_810 = arith.addf %scan3A_779, %get3A_809 : vector<16xf32>
        %get3A_811 = arith.index_cast %scan3A_773 : i32 to index
        %get3A_812 = arith.constant 96 : index
        %get3A_813 = tpu.vector_load %arg8[%get3A_811, %get3A_812] {strides = array<i32>} : memref<64x128xf32, #tpu.memory_space<vmem>>, vector<1x16xf32>,
        %get3A_814 = vector.shape_cast %get3A_813 : vector<1x16xf32> to vector<16xf32>
        %add3A_815 = arith.addf %scan3A_780, %get3A_814 : vector<16xf32>
        %get3A_816 = arith.index_cast %scan3A_773 : i32 to index
        %get3A_817 = arith.constant 112 : index
        %get3A_818 = tpu.vector_load %arg8[%get3A_816, %get3A_817] {strides = array<i32>} : memref<64x128xf32, #tpu.memory_space<vmem>>, vector<1x16xf32>,
        %get3A_819 = vector.shape_cast %get3A_818 : vector<1x16xf32> to vector<16xf32>
        %add3A_820 = arith.addf %scan3A_781, %get3A_819 : vector<16xf32>
        scf.yield %add3A_785, %add3A_790, %add3A_795, %add3A_800, %add3A_805, %add3A_810, %add3A_815, %add3A_820 : vector<16xf32>, vector<16xf32>, vector<16xf32>, vector<16xf32>, vector<16xf32>, vector<16xf32>, vector<16xf32>, vector<16xf32>
      }
      %scan3A_388 = arith.constant 64 : i32
      %mul3A_389 = arith.constant 5.000000e-03 : f32
      %mul3A_390 = vector.broadcast %mul3A_389 : f32 to vector<16xf32>
      %mul3A_391 = arith.mulf %scan3A_387#0, %mul3A_390 : vector<16xf32>
      %swap3A_392 = arith.index_cast %add3A_354 : i32 to index
      %swap3A_393 = arith.constant 0 : index
      %swap3A_394 = tpu.vector_load %arg15[%swap3A_392, %swap3A_393] {strides = array<i32>} : memref<128x128xf32, #tpu.memory_space<vmem>>, vector<1x16xf32>,
      %swap3A_395 = vector.shape_cast %swap3A_394 : vector<1x16xf32> to vector<16xf32>
      %swap3A_396 = vector.shape_cast %mul3A_391 : vector<16xf32> to vector<1x16xf32>
      tpu.vector_store %arg15[%swap3A_392, %swap3A_393], %swap3A_396 {strides = array<i32>} : memref<128x128xf32, #tpu.memory_space<vmem>>, vector<1x16xf32>,
      %mul3A_397 = arith.constant 5.000000e-03 : f32
      %mul3A_398 = vector.broadcast %mul3A_397 : f32 to vector<16xf32>
      %mul3A_399 = arith.mulf %scan3A_387#1, %mul3A_398 : vector<16xf32>
      %swap3A_400 = arith.index_cast %add3A_354 : i32 to index
      %swap3A_401 = arith.constant 16 : index
      %swap3A_402 = tpu.vector_load %arg15[%swap3A_400, %swap3A_401] {strides = array<i32>} : memref<128x128xf32, #tpu.memory_space<vmem>>, vector<1x16xf32>,
      %swap3A_403 = vector.shape_cast %swap3A_402 : vector<1x16xf32> to vector<16xf32>
      %swap3A_404 = vector.shape_cast %mul3A_399 : vector<16xf32> to vector<1x16xf32>
      tpu.vector_store %arg15[%swap3A_400, %swap3A_401], %swap3A_404 {strides = array<i32>} : memref<128x128xf32, #tpu.memory_space<vmem>>, vector<1x16xf32>,
      %mul3A_405 = arith.constant 5.000000e-03 : f32
      %mul3A_406 = vector.broadcast %mul3A_405 : f32 to vector<16xf32>
      %mul3A_407 = arith.mulf %scan3A_387#2, %mul3A_406 : vector<16xf32>
      %swap3A_408 = arith.index_cast %add3A_354 : i32 to index
      %swap3A_409 = arith.constant 32 : index
      %swap3A_410 = tpu.vector_load %arg15[%swap3A_408, %swap3A_409] {strides = array<i32>} : memref<128x128xf32, #tpu.memory_space<vmem>>, vector<1x16xf32>,
      %swap3A_411 = vector.shape_cast %swap3A_410 : vector<1x16xf32> to vector<16xf32>
      %swap3A_412 = vector.shape_cast %mul3A_407 : vector<16xf32> to vector<1x16xf32>
      tpu.vector_store %arg15[%swap3A_408, %swap3A_409], %swap3A_412 {strides = array<i32>} : memref<128x128xf32, #tpu.memory_space<vmem>>, vector<1x16xf32>,
      %mul3A_413 = arith.constant 5.000000e-03 : f32
      %mul3A_414 = vector.broadcast %mul3A_413 : f32 to vector<16xf32>
      %mul3A_415 = arith.mulf %scan3A_387#3, %mul3A_414 : vector<16xf32>
      %swap3A_416 = arith.index_cast %add3A_354 : i32 to index
      %swap3A_417 = arith.constant 48 : index
      %swap3A_418 = tpu.vector_load %arg15[%swap3A_416, %swap3A_417] {strides = array<i32>} : memref<128x128xf32, #tpu.memory_space<vmem>>, vector<1x16xf32>,
      %swap3A_419 = vector.shape_cast %swap3A_418 : vector<1x16xf32> to vector<16xf32>
      %swap3A_420 = vector.shape_cast %mul3A_415 : vector<16xf32> to vector<1x16xf32>
      tpu.vector_store %arg15[%swap3A_416, %swap3A_417], %swap3A_420 {strides = array<i32>} : memref<128x128xf32, #tpu.memory_space<vmem>>, vector<1x16xf32>,
      %mul3A_421 = arith.constant 5.000000e-03 : f32
      %mul3A_422 = vector.broadcast %mul3A_421 : f32 to vector<16xf32>
      %mul3A_423 = arith.mulf %scan3A_387#4, %mul3A_422 : vector<16xf32>
      %swap3A_424 = arith.index_cast %add3A_354 : i32 to index
      %swap3A_425 = arith.constant 64 : index
      %swap3A_426 = tpu.vector_load %arg15[%swap3A_424, %swap3A_425] {strides = array<i32>} : memref<128x128xf32, #tpu.memory_space<vmem>>, vector<1x16xf32>,
      %swap3A_427 = vector.shape_cast %swap3A_426 : vector<1x16xf32> to vector<16xf32>
      %swap3A_428 = vector.shape_cast %mul3A_423 : vector<16xf32> to vector<1x16xf32>
      tpu.vector_store %arg15[%swap3A_424, %swap3A_425], %swap3A_428 {strides = array<i32>} : memref<128x128xf32, #tpu.memory_space<vmem>>, vector<1x16xf32>,
      %mul3A_429 = arith.constant 5.000000e-03 : f32
      %mul3A_430 = vector.broadcast %mul3A_429 : f32 to vector<16xf32>
      %mul3A_431 = arith.mulf %scan3A_387#5, %mul3A_430 : vector<16xf32>
      %swap3A_432 = arith.index_cast %add3A_354 : i32 to index
      %swap3A_433 = arith.constant 80 : index
      %swap3A_434 = tpu.vector_load %arg15[%swap3A_432, %swap3A_433] {strides = array<i32>} : memref<128x128xf32, #tpu.memory_space<vmem>>, vector<1x16xf32>,
      %swap3A_435 = vector.shape_cast %swap3A_434 : vector<1x16xf32> to vector<16xf32>
      %swap3A_436 = vector.shape_cast %mul3A_431 : vector<16xf32> to vector<1x16xf32>
      tpu.vector_store %arg15[%swap3A_432, %swap3A_433], %swap3A_436 {strides = array<i32>} : memref<128x128xf32, #tpu.memory_space<vmem>>, vector<1x16xf32>,
      %mul3A_437 = arith.constant 5.000000e-03 : f32
      %mul3A_438 = vector.broadcast %mul3A_437 : f32 to vector<16xf32>
      %mul3A_439 = arith.mulf %scan3A_387#6, %mul3A_438 : vector<16xf32>
      %swap3A_440 = arith.index_cast %add3A_354 : i32 to index
      %swap3A_441 = arith.constant 96 : index
      %swap3A_442 = tpu.vector_load %arg15[%swap3A_440, %swap3A_441] {strides = array<i32>} : memref<128x128xf32, #tpu.memory_space<vmem>>, vector<1x16xf32>,
      %swap3A_443 = vector.shape_cast %swap3A_442 : vector<1x16xf32> to vector<16xf32>
      %swap3A_444 = vector.shape_cast %mul3A_439 : vector<16xf32> to vector<1x16xf32>
      tpu.vector_store %arg15[%swap3A_440, %swap3A_441], %swap3A_444 {strides = array<i32>} : memref<128x128xf32, #tpu.memory_space<vmem>>, vector<1x16xf32>,
      %mul3A_445 = arith.constant 5.000000e-03 : f32
      %mul3A_446 = vector.broadcast %mul3A_445 : f32 to vector<16xf32>
      %mul3A_447 = arith.mulf %scan3A_387#7, %mul3A_446 : vector<16xf32>
      %swap3A_448 = arith.index_cast %add3A_354 : i32 to index
      %swap3A_449 = arith.constant 112 : index
      %swap3A_450 = tpu.vector_load %arg15[%swap3A_448, %swap3A_449] {strides = array<i32>} : memref<128x128xf32, #tpu.memory_space<vmem>>, vector<1x16xf32>,
      %swap3A_451 = vector.shape_cast %swap3A_450 : vector<1x16xf32> to vector<16xf32>
      %swap3A_452 = vector.shape_cast %mul3A_447 : vector<16xf32> to vector<1x16xf32>
      tpu.vector_store %arg15[%swap3A_448, %swap3A_449], %swap3A_452 {strides = array<i32>} : memref<128x128xf32, #tpu.memory_space<vmem>>, vector<1x16xf32>,
      %add3A_453 = arith.constant 3 : i32
      %add3A_454 = arith.addi %add3A_334, %add3A_453 : i32
      %add3A_455 = arith.constant 0 : i32
      %add3A_456 = arith.addi %add3A_454, %add3A_455 : i32
      %ge3A = arith.constant 128 : i32
      %ge3A_457 = arith.cmpi sge, %add3A_456, %ge3A : i32
      %jit3A = arith.constant 0 : i32
      %select_n3A = arith.select %ge3A_457, %jit3A, %add3A_456 : i32
      %mul3A_458 = arith.constant 200 : i32
      %mul3A_459 = arith.muli %select_n3A, %mul3A_458 : i32
      %multiple_of3A_460 = tpu.assume_multiple %mul3A_459, 8 : i32
      %add3A_461 = arith.constant 0 : i32
      %add3A_462 = arith.addi %multiple_of3A_460, %add3A_461 : i32
      %dma_start3A_463 = tpu.memref_slice %arg5[%add3A_462] : memref<25600xi32, #tpu.memory_space<vmem>> -> memref<72xi32, #tpu.memory_space<vmem>>
      %dma_start3A_464 = arith.constant 0 : i32
      %dma_start3A_465 = arith.constant 0 : i32
      %dma_start3A_466 = tpu.memref_slice %arg2[%dma_start3A_464, %dma_start3A_465] : memref<100000x128xf32, #tpu.memory_space<hbm>> -> memref<100000x128xf32, #tpu.memory_space<hbm>>
      tpu.enqueue_indirect_dma source(%dma_start3A_466 : memref<100000x128xf32, #tpu.memory_space<hbm>>) target(%arg6 : memref<72x128xf32, #tpu.memory_space<vmem>>) offsets(%dma_start3A_463 : memref<72xi32, #tpu.memory_space<vmem>>) semaphore(%arg16 : memref<!tpu.dma_semaphore, #tpu.memory_space<semaphore_mem>>)
      %add3A_467 = arith.constant 72 : i32
      %add3A_468 = arith.addi %multiple_of3A_460, %add3A_467 : i32
      %dma_start3A_469 = tpu.memref_slice %arg5[%add3A_468] : memref<25600xi32, #tpu.memory_space<vmem>> -> memref<64xi32, #tpu.memory_space<vmem>>
      %dma_start3A_470 = arith.constant 0 : i32
      %dma_start3A_471 = arith.constant 0 : i32
      %dma_start3A_472 = tpu.memref_slice %arg2[%dma_start3A_470, %dma_start3A_471] : memref<100000x128xf32, #tpu.memory_space<hbm>> -> memref<100000x128xf32, #tpu.memory_space<hbm>>
      tpu.enqueue_indirect_dma source(%dma_start3A_472 : memref<100000x128xf32, #tpu.memory_space<hbm>>) target(%arg7 : memref<64x128xf32, #tpu.memory_space<vmem>>) offsets(%dma_start3A_469 : memref<64xi32, #tpu.memory_space<vmem>>) semaphore(%arg16 : memref<!tpu.dma_semaphore, #tpu.memory_space<semaphore_mem>>)
      %add3A_473 = arith.constant 136 : i32
      %add3A_474 = arith.addi %multiple_of3A_460, %add3A_473 : i32
      %dma_start3A_475 = tpu.memref_slice %arg5[%add3A_474] : memref<25600xi32, #tpu.memory_space<vmem>> -> memref<64xi32, #tpu.memory_space<vmem>>
      %dma_start3A_476 = arith.constant 0 : i32
      %dma_start3A_477 = arith.constant 0 : i32
      %dma_start3A_478 = tpu.memref_slice %arg2[%dma_start3A_476, %dma_start3A_477] : memref<100000x128xf32, #tpu.memory_space<hbm>> -> memref<100000x128xf32, #tpu.memory_space<hbm>>
      tpu.enqueue_indirect_dma source(%dma_start3A_478 : memref<100000x128xf32, #tpu.memory_space<hbm>>) target(%arg8 : memref<64x128xf32, #tpu.memory_space<vmem>>) offsets(%dma_start3A_475 : memref<64xi32, #tpu.memory_space<vmem>>) semaphore(%arg16 : memref<!tpu.dma_semaphore, #tpu.memory_space<semaphore_mem>>)
      %dma_wait3A_479 = arith.constant 0 : i32
      %dma_wait3A_480 = arith.constant 0 : i32
      %dma_wait3A_481 = tpu.memref_slice %arg2[%dma_wait3A_479, %dma_wait3A_480] : memref<100000x128xf32, #tpu.memory_space<hbm>> -> memref<72x128xf32, #tpu.memory_space<hbm>>
      %dma_wait3A_482 = arith.constant 0 : i32
      %dma_wait3A_483 = arith.constant 0 : i32
      %dma_wait3A_484 = tpu.memref_slice %arg2[%dma_wait3A_482, %dma_wait3A_483] : memref<100000x128xf32, #tpu.memory_space<hbm>> -> memref<72x128xf32, #tpu.memory_space<hbm>>
      tpu.wait_dma2 semaphore(%arg17 : memref<!tpu.dma_semaphore, #tpu.memory_space<semaphore_mem>>) src(%dma_wait3A_484 : memref<72x128xf32, #tpu.memory_space<hbm>>) dst(%arg9 : memref<72x128xf32, #tpu.memory_space<vmem>>)
      %dma_wait3A_485 = arith.constant 0 : i32
      %dma_wait3A_486 = arith.constant 0 : i32
      %dma_wait3A_487 = tpu.memref_slice %arg2[%dma_wait3A_485, %dma_wait3A_486] : memref<100000x128xf32, #tpu.memory_space<hbm>> -> memref<64x128xf32, #tpu.memory_space<hbm>>
      %dma_wait3A_488 = arith.constant 0 : i32
      %dma_wait3A_489 = arith.constant 0 : i32
      %dma_wait3A_490 = tpu.memref_slice %arg2[%dma_wait3A_488, %dma_wait3A_489] : memref<100000x128xf32, #tpu.memory_space<hbm>> -> memref<64x128xf32, #tpu.memory_space<hbm>>
      tpu.wait_dma2 semaphore(%arg17 : memref<!tpu.dma_semaphore, #tpu.memory_space<semaphore_mem>>) src(%dma_wait3A_490 : memref<64x128xf32, #tpu.memory_space<hbm>>) dst(%arg10 : memref<64x128xf32, #tpu.memory_space<vmem>>)
      %dma_wait3A_491 = arith.constant 0 : i32
      %dma_wait3A_492 = arith.constant 0 : i32
      %dma_wait3A_493 = tpu.memref_slice %arg2[%dma_wait3A_491, %dma_wait3A_492] : memref<100000x128xf32, #tpu.memory_space<hbm>> -> memref<64x128xf32, #tpu.memory_space<hbm>>
      %dma_wait3A_494 = arith.constant 0 : i32
      %dma_wait3A_495 = arith.constant 0 : i32
      %dma_wait3A_496 = tpu.memref_slice %arg2[%dma_wait3A_494, %dma_wait3A_495] : memref<100000x128xf32, #tpu.memory_space<hbm>> -> memref<64x128xf32, #tpu.memory_space<hbm>>
      tpu.wait_dma2 semaphore(%arg17 : memref<!tpu.dma_semaphore, #tpu.memory_space<semaphore_mem>>) src(%dma_wait3A_496 : memref<64x128xf32, #tpu.memory_space<hbm>>) dst(%arg11 : memref<64x128xf32, #tpu.memory_space<vmem>>)
      %add3A_497 = arith.constant 1 : i32
      %add3A_498 = arith.addi %add3A_334, %add3A_497 : i32
      %broadcast_in_dim3A_499 = arith.constant 0.000000e+00 : f32
      %broadcast_in_dim3A_500 = vector.broadcast %broadcast_in_dim3A_499 : f32 to vector<16xf32>
      %broadcast_in_dim3A_501 = arith.constant 0.000000e+00 : f32
      %broadcast_in_dim3A_502 = vector.broadcast %broadcast_in_dim3A_501 : f32 to vector<16xf32>
      %broadcast_in_dim3A_503 = arith.constant 0.000000e+00 : f32
      %broadcast_in_dim3A_504 = vector.broadcast %broadcast_in_dim3A_503 : f32 to vector<16xf32>
      %broadcast_in_dim3A_505 = arith.constant 0.000000e+00 : f32
      %broadcast_in_dim3A_506 = vector.broadcast %broadcast_in_dim3A_505 : f32 to vector<16xf32>
      %broadcast_in_dim3A_507 = arith.constant 0.000000e+00 : f32
      %broadcast_in_dim3A_508 = vector.broadcast %broadcast_in_dim3A_507 : f32 to vector<16xf32>
      %broadcast_in_dim3A_509 = arith.constant 0.000000e+00 : f32
      %broadcast_in_dim3A_510 = vector.broadcast %broadcast_in_dim3A_509 : f32 to vector<16xf32>
      %broadcast_in_dim3A_511 = arith.constant 0.000000e+00 : f32
      %broadcast_in_dim3A_512 = vector.broadcast %broadcast_in_dim3A_511 : f32 to vector<16xf32>
      %broadcast_in_dim3A_513 = arith.constant 0.000000e+00 : f32
      %broadcast_in_dim3A_514 = vector.broadcast %broadcast_in_dim3A_513 : f32 to vector<16xf32>
      %scan3A_515 = arith.constant 0 : i32
      %scan3A_516 = arith.constant 72 : i32
      %scan3A_517 = arith.addi %scan3A_515, %scan3A_516 : i32
      %scan3A_518 = arith.constant 1 : i32
      %scan3A_519:8 = scf.for %scan3A_773 = %scan3A_515 to %scan3A_517 step %scan3A_518 iter_args(%scan3A_774 = %broadcast_in_dim3A_500, %scan3A_775 = %broadcast_in_dim3A_502, %scan3A_776 = %broadcast_in_dim3A_504, %scan3A_777 = %broadcast_in_dim3A_506, %scan3A_778 = %broadcast_in_dim3A_508, %scan3A_779 = %broadcast_in_dim3A_510, %scan3A_780 = %broadcast_in_dim3A_512, %scan3A_781 = %broadcast_in_dim3A_514) -> (vector<16xf32>, vector<16xf32>, vector<16xf32>, vector<16xf32>, vector<16xf32>, vector<16xf32>, vector<16xf32>, vector<16xf32>)  : i32 {
        %get3A = arith.index_cast %scan3A_773 : i32 to index
        %get3A_782 = arith.constant 0 : index
        %get3A_783 = tpu.vector_load %arg9[%get3A, %get3A_782] {strides = array<i32>} : memref<72x128xf32, #tpu.memory_space<vmem>>, vector<1x16xf32>,
        %get3A_784 = vector.shape_cast %get3A_783 : vector<1x16xf32> to vector<16xf32>
        %add3A_785 = arith.addf %scan3A_774, %get3A_784 : vector<16xf32>
        %get3A_786 = arith.index_cast %scan3A_773 : i32 to index
        %get3A_787 = arith.constant 16 : index
        %get3A_788 = tpu.vector_load %arg9[%get3A_786, %get3A_787] {strides = array<i32>} : memref<72x128xf32, #tpu.memory_space<vmem>>, vector<1x16xf32>,
        %get3A_789 = vector.shape_cast %get3A_788 : vector<1x16xf32> to vector<16xf32>
        %add3A_790 = arith.addf %scan3A_775, %get3A_789 : vector<16xf32>
        %get3A_791 = arith.index_cast %scan3A_773 : i32 to index
        %get3A_792 = arith.constant 32 : index
        %get3A_793 = tpu.vector_load %arg9[%get3A_791, %get3A_792] {strides = array<i32>} : memref<72x128xf32, #tpu.memory_space<vmem>>, vector<1x16xf32>,
        %get3A_794 = vector.shape_cast %get3A_793 : vector<1x16xf32> to vector<16xf32>
        %add3A_795 = arith.addf %scan3A_776, %get3A_794 : vector<16xf32>
        %get3A_796 = arith.index_cast %scan3A_773 : i32 to index
        %get3A_797 = arith.constant 48 : index
        %get3A_798 = tpu.vector_load %arg9[%get3A_796, %get3A_797] {strides = array<i32>} : memref<72x128xf32, #tpu.memory_space<vmem>>, vector<1x16xf32>,
        %get3A_799 = vector.shape_cast %get3A_798 : vector<1x16xf32> to vector<16xf32>
        %add3A_800 = arith.addf %scan3A_777, %get3A_799 : vector<16xf32>
        %get3A_801 = arith.index_cast %scan3A_773 : i32 to index
        %get3A_802 = arith.constant 64 : index
        %get3A_803 = tpu.vector_load %arg9[%get3A_801, %get3A_802] {strides = array<i32>} : memref<72x128xf32, #tpu.memory_space<vmem>>, vector<1x16xf32>,
        %get3A_804 = vector.shape_cast %get3A_803 : vector<1x16xf32> to vector<16xf32>
        %add3A_805 = arith.addf %scan3A_778, %get3A_804 : vector<16xf32>
        %get3A_806 = arith.index_cast %scan3A_773 : i32 to index
        %get3A_807 = arith.constant 80 : index
        %get3A_808 = tpu.vector_load %arg9[%get3A_806, %get3A_807] {strides = array<i32>} : memref<72x128xf32, #tpu.memory_space<vmem>>, vector<1x16xf32>,
        %get3A_809 = vector.shape_cast %get3A_808 : vector<1x16xf32> to vector<16xf32>
        %add3A_810 = arith.addf %scan3A_779, %get3A_809 : vector<16xf32>
        %get3A_811 = arith.index_cast %scan3A_773 : i32 to index
        %get3A_812 = arith.constant 96 : index
        %get3A_813 = tpu.vector_load %arg9[%get3A_811, %get3A_812] {strides = array<i32>} : memref<72x128xf32, #tpu.memory_space<vmem>>, vector<1x16xf32>,
        %get3A_814 = vector.shape_cast %get3A_813 : vector<1x16xf32> to vector<16xf32>
        %add3A_815 = arith.addf %scan3A_780, %get3A_814 : vector<16xf32>
        %get3A_816 = arith.index_cast %scan3A_773 : i32 to index
        %get3A_817 = arith.constant 112 : index
        %get3A_818 = tpu.vector_load %arg9[%get3A_816, %get3A_817] {strides = array<i32>} : memref<72x128xf32, #tpu.memory_space<vmem>>, vector<1x16xf32>,
        %get3A_819 = vector.shape_cast %get3A_818 : vector<1x16xf32> to vector<16xf32>
        %add3A_820 = arith.addf %scan3A_781, %get3A_819 : vector<16xf32>
        scf.yield %add3A_785, %add3A_790, %add3A_795, %add3A_800, %add3A_805, %add3A_810, %add3A_815, %add3A_820 : vector<16xf32>, vector<16xf32>, vector<16xf32>, vector<16xf32>, vector<16xf32>, vector<16xf32>, vector<16xf32>, vector<16xf32>
      }
      %scan3A_520 = arith.constant 72 : i32
      %scan3A_521 = arith.constant 0 : i32
      %scan3A_522 = arith.constant 64 : i32
      %scan3A_523 = arith.addi %scan3A_521, %scan3A_522 : i32
      %scan3A_524 = arith.constant 1 : i32
      %scan3A_525:8 = scf.for %scan3A_773 = %scan3A_521 to %scan3A_523 step %scan3A_524 iter_args(%scan3A_774 = %scan3A_519#0, %scan3A_775 = %scan3A_519#1, %scan3A_776 = %scan3A_519#2, %scan3A_777 = %scan3A_519#3, %scan3A_778 = %scan3A_519#4, %scan3A_779 = %scan3A_519#5, %scan3A_780 = %scan3A_519#6, %scan3A_781 = %scan3A_519#7) -> (vector<16xf32>, vector<16xf32>, vector<16xf32>, vector<16xf32>, vector<16xf32>, vector<16xf32>, vector<16xf32>, vector<16xf32>)  : i32 {
        %get3A = arith.index_cast %scan3A_773 : i32 to index
        %get3A_782 = arith.constant 0 : index
        %get3A_783 = tpu.vector_load %arg10[%get3A, %get3A_782] {strides = array<i32>} : memref<64x128xf32, #tpu.memory_space<vmem>>, vector<1x16xf32>,
        %get3A_784 = vector.shape_cast %get3A_783 : vector<1x16xf32> to vector<16xf32>
        %add3A_785 = arith.addf %scan3A_774, %get3A_784 : vector<16xf32>
        %get3A_786 = arith.index_cast %scan3A_773 : i32 to index
        %get3A_787 = arith.constant 16 : index
        %get3A_788 = tpu.vector_load %arg10[%get3A_786, %get3A_787] {strides = array<i32>} : memref<64x128xf32, #tpu.memory_space<vmem>>, vector<1x16xf32>,
        %get3A_789 = vector.shape_cast %get3A_788 : vector<1x16xf32> to vector<16xf32>
        %add3A_790 = arith.addf %scan3A_775, %get3A_789 : vector<16xf32>
        %get3A_791 = arith.index_cast %scan3A_773 : i32 to index
        %get3A_792 = arith.constant 32 : index
        %get3A_793 = tpu.vector_load %arg10[%get3A_791, %get3A_792] {strides = array<i32>} : memref<64x128xf32, #tpu.memory_space<vmem>>, vector<1x16xf32>,
        %get3A_794 = vector.shape_cast %get3A_793 : vector<1x16xf32> to vector<16xf32>
        %add3A_795 = arith.addf %scan3A_776, %get3A_794 : vector<16xf32>
        %get3A_796 = arith.index_cast %scan3A_773 : i32 to index
        %get3A_797 = arith.constant 48 : index
        %get3A_798 = tpu.vector_load %arg10[%get3A_796, %get3A_797] {strides = array<i32>} : memref<64x128xf32, #tpu.memory_space<vmem>>, vector<1x16xf32>,
        %get3A_799 = vector.shape_cast %get3A_798 : vector<1x16xf32> to vector<16xf32>
        %add3A_800 = arith.addf %scan3A_777, %get3A_799 : vector<16xf32>
        %get3A_801 = arith.index_cast %scan3A_773 : i32 to index
        %get3A_802 = arith.constant 64 : index
        %get3A_803 = tpu.vector_load %arg10[%get3A_801, %get3A_802] {strides = array<i32>} : memref<64x128xf32, #tpu.memory_space<vmem>>, vector<1x16xf32>,
        %get3A_804 = vector.shape_cast %get3A_803 : vector<1x16xf32> to vector<16xf32>
        %add3A_805 = arith.addf %scan3A_778, %get3A_804 : vector<16xf32>
        %get3A_806 = arith.index_cast %scan3A_773 : i32 to index
        %get3A_807 = arith.constant 80 : index
        %get3A_808 = tpu.vector_load %arg10[%get3A_806, %get3A_807] {strides = array<i32>} : memref<64x128xf32, #tpu.memory_space<vmem>>, vector<1x16xf32>,
        %get3A_809 = vector.shape_cast %get3A_808 : vector<1x16xf32> to vector<16xf32>
        %add3A_810 = arith.addf %scan3A_779, %get3A_809 : vector<16xf32>
        %get3A_811 = arith.index_cast %scan3A_773 : i32 to index
        %get3A_812 = arith.constant 96 : index
        %get3A_813 = tpu.vector_load %arg10[%get3A_811, %get3A_812] {strides = array<i32>} : memref<64x128xf32, #tpu.memory_space<vmem>>, vector<1x16xf32>,
        %get3A_814 = vector.shape_cast %get3A_813 : vector<1x16xf32> to vector<16xf32>
        %add3A_815 = arith.addf %scan3A_780, %get3A_814 : vector<16xf32>
        %get3A_816 = arith.index_cast %scan3A_773 : i32 to index
        %get3A_817 = arith.constant 112 : index
        %get3A_818 = tpu.vector_load %arg10[%get3A_816, %get3A_817] {strides = array<i32>} : memref<64x128xf32, #tpu.memory_space<vmem>>, vector<1x16xf32>,
        %get3A_819 = vector.shape_cast %get3A_818 : vector<1x16xf32> to vector<16xf32>
        %add3A_820 = arith.addf %scan3A_781, %get3A_819 : vector<16xf32>
        scf.yield %add3A_785, %add3A_790, %add3A_795, %add3A_800, %add3A_805, %add3A_810, %add3A_815, %add3A_820 : vector<16xf32>, vector<16xf32>, vector<16xf32>, vector<16xf32>, vector<16xf32>, vector<16xf32>, vector<16xf32>, vector<16xf32>
      }
      %scan3A_526 = arith.constant 64 : i32
      %scan3A_527 = arith.constant 0 : i32
      %scan3A_528 = arith.constant 64 : i32
      %scan3A_529 = arith.addi %scan3A_527, %scan3A_528 : i32
      %scan3A_530 = arith.constant 1 : i32
      %scan3A_531:8 = scf.for %scan3A_773 = %scan3A_527 to %scan3A_529 step %scan3A_530 iter_args(%scan3A_774 = %scan3A_525#0, %scan3A_775 = %scan3A_525#1, %scan3A_776 = %scan3A_525#2, %scan3A_777 = %scan3A_525#3, %scan3A_778 = %scan3A_525#4, %scan3A_779 = %scan3A_525#5, %scan3A_780 = %scan3A_525#6, %scan3A_781 = %scan3A_525#7) -> (vector<16xf32>, vector<16xf32>, vector<16xf32>, vector<16xf32>, vector<16xf32>, vector<16xf32>, vector<16xf32>, vector<16xf32>)  : i32 {
        %get3A = arith.index_cast %scan3A_773 : i32 to index
        %get3A_782 = arith.constant 0 : index
        %get3A_783 = tpu.vector_load %arg11[%get3A, %get3A_782] {strides = array<i32>} : memref<64x128xf32, #tpu.memory_space<vmem>>, vector<1x16xf32>,
        %get3A_784 = vector.shape_cast %get3A_783 : vector<1x16xf32> to vector<16xf32>
        %add3A_785 = arith.addf %scan3A_774, %get3A_784 : vector<16xf32>
        %get3A_786 = arith.index_cast %scan3A_773 : i32 to index
        %get3A_787 = arith.constant 16 : index
        %get3A_788 = tpu.vector_load %arg11[%get3A_786, %get3A_787] {strides = array<i32>} : memref<64x128xf32, #tpu.memory_space<vmem>>, vector<1x16xf32>,
        %get3A_789 = vector.shape_cast %get3A_788 : vector<1x16xf32> to vector<16xf32>
        %add3A_790 = arith.addf %scan3A_775, %get3A_789 : vector<16xf32>
        %get3A_791 = arith.index_cast %scan3A_773 : i32 to index
        %get3A_792 = arith.constant 32 : index
        %get3A_793 = tpu.vector_load %arg11[%get3A_791, %get3A_792] {strides = array<i32>} : memref<64x128xf32, #tpu.memory_space<vmem>>, vector<1x16xf32>,
        %get3A_794 = vector.shape_cast %get3A_793 : vector<1x16xf32> to vector<16xf32>
        %add3A_795 = arith.addf %scan3A_776, %get3A_794 : vector<16xf32>
        %get3A_796 = arith.index_cast %scan3A_773 : i32 to index
        %get3A_797 = arith.constant 48 : index
        %get3A_798 = tpu.vector_load %arg11[%get3A_796, %get3A_797] {strides = array<i32>} : memref<64x128xf32, #tpu.memory_space<vmem>>, vector<1x16xf32>,
        %get3A_799 = vector.shape_cast %get3A_798 : vector<1x16xf32> to vector<16xf32>
        %add3A_800 = arith.addf %scan3A_777, %get3A_799 : vector<16xf32>
        %get3A_801 = arith.index_cast %scan3A_773 : i32 to index
        %get3A_802 = arith.constant 64 : index
        %get3A_803 = tpu.vector_load %arg11[%get3A_801, %get3A_802] {strides = array<i32>} : memref<64x128xf32, #tpu.memory_space<vmem>>, vector<1x16xf32>,
        %get3A_804 = vector.shape_cast %get3A_803 : vector<1x16xf32> to vector<16xf32>
        %add3A_805 = arith.addf %scan3A_778, %get3A_804 : vector<16xf32>
        %get3A_806 = arith.index_cast %scan3A_773 : i32 to index
        %get3A_807 = arith.constant 80 : index
        %get3A_808 = tpu.vector_load %arg11[%get3A_806, %get3A_807] {strides = array<i32>} : memref<64x128xf32, #tpu.memory_space<vmem>>, vector<1x16xf32>,
        %get3A_809 = vector.shape_cast %get3A_808 : vector<1x16xf32> to vector<16xf32>
        %add3A_810 = arith.addf %scan3A_779, %get3A_809 : vector<16xf32>
        %get3A_811 = arith.index_cast %scan3A_773 : i32 to index
        %get3A_812 = arith.constant 96 : index
        %get3A_813 = tpu.vector_load %arg11[%get3A_811, %get3A_812] {strides = array<i32>} : memref<64x128xf32, #tpu.memory_space<vmem>>, vector<1x16xf32>,
        %get3A_814 = vector.shape_cast %get3A_813 : vector<1x16xf32> to vector<16xf32>
        %add3A_815 = arith.addf %scan3A_780, %get3A_814 : vector<16xf32>
        %get3A_816 = arith.index_cast %scan3A_773 : i32 to index
        %get3A_817 = arith.constant 112 : index
        %get3A_818 = tpu.vector_load %arg11[%get3A_816, %get3A_817] {strides = array<i32>} : memref<64x128xf32, #tpu.memory_space<vmem>>, vector<1x16xf32>,
        %get3A_819 = vector.shape_cast %get3A_818 : vector<1x16xf32> to vector<16xf32>
        %add3A_820 = arith.addf %scan3A_781, %get3A_819 : vector<16xf32>
        scf.yield %add3A_785, %add3A_790, %add3A_795, %add3A_800, %add3A_805, %add3A_810, %add3A_815, %add3A_820 : vector<16xf32>, vector<16xf32>, vector<16xf32>, vector<16xf32>, vector<16xf32>, vector<16xf32>, vector<16xf32>, vector<16xf32>
      }
      %scan3A_532 = arith.constant 64 : i32
      %mul3A_533 = arith.constant 5.000000e-03 : f32
      %mul3A_534 = vector.broadcast %mul3A_533 : f32 to vector<16xf32>
      %mul3A_535 = arith.mulf %scan3A_531#0, %mul3A_534 : vector<16xf32>
      %swap3A_536 = arith.index_cast %add3A_498 : i32 to index
      %swap3A_537 = arith.constant 0 : index
      %swap3A_538 = tpu.vector_load %arg15[%swap3A_536, %swap3A_537] {strides = array<i32>} : memref<128x128xf32, #tpu.memory_space<vmem>>, vector<1x16xf32>,
      %swap3A_539 = vector.shape_cast %swap3A_538 : vector<1x16xf32> to vector<16xf32>
      %swap3A_540 = vector.shape_cast %mul3A_535 : vector<16xf32> to vector<1x16xf32>
      tpu.vector_store %arg15[%swap3A_536, %swap3A_537], %swap3A_540 {strides = array<i32>} : memref<128x128xf32, #tpu.memory_space<vmem>>, vector<1x16xf32>,
      %mul3A_541 = arith.constant 5.000000e-03 : f32
      %mul3A_542 = vector.broadcast %mul3A_541 : f32 to vector<16xf32>
      %mul3A_543 = arith.mulf %scan3A_531#1, %mul3A_542 : vector<16xf32>
      %swap3A_544 = arith.index_cast %add3A_498 : i32 to index
      %swap3A_545 = arith.constant 16 : index
      %swap3A_546 = tpu.vector_load %arg15[%swap3A_544, %swap3A_545] {strides = array<i32>} : memref<128x128xf32, #tpu.memory_space<vmem>>, vector<1x16xf32>,
      %swap3A_547 = vector.shape_cast %swap3A_546 : vector<1x16xf32> to vector<16xf32>
      %swap3A_548 = vector.shape_cast %mul3A_543 : vector<16xf32> to vector<1x16xf32>
      tpu.vector_store %arg15[%swap3A_544, %swap3A_545], %swap3A_548 {strides = array<i32>} : memref<128x128xf32, #tpu.memory_space<vmem>>, vector<1x16xf32>,
      %mul3A_549 = arith.constant 5.000000e-03 : f32
      %mul3A_550 = vector.broadcast %mul3A_549 : f32 to vector<16xf32>
      %mul3A_551 = arith.mulf %scan3A_531#2, %mul3A_550 : vector<16xf32>
      %swap3A_552 = arith.index_cast %add3A_498 : i32 to index
      %swap3A_553 = arith.constant 32 : index
      %swap3A_554 = tpu.vector_load %arg15[%swap3A_552, %swap3A_553] {strides = array<i32>} : memref<128x128xf32, #tpu.memory_space<vmem>>, vector<1x16xf32>,
      %swap3A_555 = vector.shape_cast %swap3A_554 : vector<1x16xf32> to vector<16xf32>
      %swap3A_556 = vector.shape_cast %mul3A_551 : vector<16xf32> to vector<1x16xf32>
      tpu.vector_store %arg15[%swap3A_552, %swap3A_553], %swap3A_556 {strides = array<i32>} : memref<128x128xf32, #tpu.memory_space<vmem>>, vector<1x16xf32>,
      %mul3A_557 = arith.constant 5.000000e-03 : f32
      %mul3A_558 = vector.broadcast %mul3A_557 : f32 to vector<16xf32>
      %mul3A_559 = arith.mulf %scan3A_531#3, %mul3A_558 : vector<16xf32>
      %swap3A_560 = arith.index_cast %add3A_498 : i32 to index
      %swap3A_561 = arith.constant 48 : index
      %swap3A_562 = tpu.vector_load %arg15[%swap3A_560, %swap3A_561] {strides = array<i32>} : memref<128x128xf32, #tpu.memory_space<vmem>>, vector<1x16xf32>,
      %swap3A_563 = vector.shape_cast %swap3A_562 : vector<1x16xf32> to vector<16xf32>
      %swap3A_564 = vector.shape_cast %mul3A_559 : vector<16xf32> to vector<1x16xf32>
      tpu.vector_store %arg15[%swap3A_560, %swap3A_561], %swap3A_564 {strides = array<i32>} : memref<128x128xf32, #tpu.memory_space<vmem>>, vector<1x16xf32>,
      %mul3A_565 = arith.constant 5.000000e-03 : f32
      %mul3A_566 = vector.broadcast %mul3A_565 : f32 to vector<16xf32>
      %mul3A_567 = arith.mulf %scan3A_531#4, %mul3A_566 : vector<16xf32>
      %swap3A_568 = arith.index_cast %add3A_498 : i32 to index
      %swap3A_569 = arith.constant 64 : index
      %swap3A_570 = tpu.vector_load %arg15[%swap3A_568, %swap3A_569] {strides = array<i32>} : memref<128x128xf32, #tpu.memory_space<vmem>>, vector<1x16xf32>,
      %swap3A_571 = vector.shape_cast %swap3A_570 : vector<1x16xf32> to vector<16xf32>
      %swap3A_572 = vector.shape_cast %mul3A_567 : vector<16xf32> to vector<1x16xf32>
      tpu.vector_store %arg15[%swap3A_568, %swap3A_569], %swap3A_572 {strides = array<i32>} : memref<128x128xf32, #tpu.memory_space<vmem>>, vector<1x16xf32>,
      %mul3A_573 = arith.constant 5.000000e-03 : f32
      %mul3A_574 = vector.broadcast %mul3A_573 : f32 to vector<16xf32>
      %mul3A_575 = arith.mulf %scan3A_531#5, %mul3A_574 : vector<16xf32>
      %swap3A_576 = arith.index_cast %add3A_498 : i32 to index
      %swap3A_577 = arith.constant 80 : index
      %swap3A_578 = tpu.vector_load %arg15[%swap3A_576, %swap3A_577] {strides = array<i32>} : memref<128x128xf32, #tpu.memory_space<vmem>>, vector<1x16xf32>,
      %swap3A_579 = vector.shape_cast %swap3A_578 : vector<1x16xf32> to vector<16xf32>
      %swap3A_580 = vector.shape_cast %mul3A_575 : vector<16xf32> to vector<1x16xf32>
      tpu.vector_store %arg15[%swap3A_576, %swap3A_577], %swap3A_580 {strides = array<i32>} : memref<128x128xf32, #tpu.memory_space<vmem>>, vector<1x16xf32>,
      %mul3A_581 = arith.constant 5.000000e-03 : f32
      %mul3A_582 = vector.broadcast %mul3A_581 : f32 to vector<16xf32>
      %mul3A_583 = arith.mulf %scan3A_531#6, %mul3A_582 : vector<16xf32>
      %swap3A_584 = arith.index_cast %add3A_498 : i32 to index
      %swap3A_585 = arith.constant 96 : index
      %swap3A_586 = tpu.vector_load %arg15[%swap3A_584, %swap3A_585] {strides = array<i32>} : memref<128x128xf32, #tpu.memory_space<vmem>>, vector<1x16xf32>,
      %swap3A_587 = vector.shape_cast %swap3A_586 : vector<1x16xf32> to vector<16xf32>
      %swap3A_588 = vector.shape_cast %mul3A_583 : vector<16xf32> to vector<1x16xf32>
      tpu.vector_store %arg15[%swap3A_584, %swap3A_585], %swap3A_588 {strides = array<i32>} : memref<128x128xf32, #tpu.memory_space<vmem>>, vector<1x16xf32>,
      %mul3A_589 = arith.constant 5.000000e-03 : f32
      %mul3A_590 = vector.broadcast %mul3A_589 : f32 to vector<16xf32>
      %mul3A_591 = arith.mulf %scan3A_531#7, %mul3A_590 : vector<16xf32>
      %swap3A_592 = arith.index_cast %add3A_498 : i32 to index
      %swap3A_593 = arith.constant 112 : index
      %swap3A_594 = tpu.vector_load %arg15[%swap3A_592, %swap3A_593] {strides = array<i32>} : memref<128x128xf32, #tpu.memory_space<vmem>>, vector<1x16xf32>,
      %swap3A_595 = vector.shape_cast %swap3A_594 : vector<1x16xf32> to vector<16xf32>
      %swap3A_596 = vector.shape_cast %mul3A_591 : vector<16xf32> to vector<1x16xf32>
      tpu.vector_store %arg15[%swap3A_592, %swap3A_593], %swap3A_596 {strides = array<i32>} : memref<128x128xf32, #tpu.memory_space<vmem>>, vector<1x16xf32>,
      %add3A_597 = arith.constant 3 : i32
      %add3A_598 = arith.addi %add3A_334, %add3A_597 : i32
      %add3A_599 = arith.constant 1 : i32
      %add3A_600 = arith.addi %add3A_598, %add3A_599 : i32
      %ge3A_601 = arith.constant 128 : i32
      %ge3A_602 = arith.cmpi sge, %add3A_600, %ge3A_601 : i32
      %jit3A_603 = arith.constant 1 : i32
      %select_n3A_604 = arith.select %ge3A_602, %jit3A_603, %add3A_600 : i32
      %mul3A_605 = arith.constant 200 : i32
      %mul3A_606 = arith.muli %select_n3A_604, %mul3A_605 : i32
      %multiple_of3A_607 = tpu.assume_multiple %mul3A_606, 8 : i32
      %add3A_608 = arith.constant 0 : i32
      %add3A_609 = arith.addi %multiple_of3A_607, %add3A_608 : i32
      %dma_start3A_610 = tpu.memref_slice %arg5[%add3A_609] : memref<25600xi32, #tpu.memory_space<vmem>> -> memref<72xi32, #tpu.memory_space<vmem>>
      %dma_start3A_611 = arith.constant 0 : i32
      %dma_start3A_612 = arith.constant 0 : i32
      %dma_start3A_613 = tpu.memref_slice %arg2[%dma_start3A_611, %dma_start3A_612] : memref<100000x128xf32, #tpu.memory_space<hbm>> -> memref<100000x128xf32, #tpu.memory_space<hbm>>
      tpu.enqueue_indirect_dma source(%dma_start3A_613 : memref<100000x128xf32, #tpu.memory_space<hbm>>) target(%arg9 : memref<72x128xf32, #tpu.memory_space<vmem>>) offsets(%dma_start3A_610 : memref<72xi32, #tpu.memory_space<vmem>>) semaphore(%arg17 : memref<!tpu.dma_semaphore, #tpu.memory_space<semaphore_mem>>)
      %add3A_614 = arith.constant 72 : i32
      %add3A_615 = arith.addi %multiple_of3A_607, %add3A_614 : i32
      %dma_start3A_616 = tpu.memref_slice %arg5[%add3A_615] : memref<25600xi32, #tpu.memory_space<vmem>> -> memref<64xi32, #tpu.memory_space<vmem>>
      %dma_start3A_617 = arith.constant 0 : i32
      %dma_start3A_618 = arith.constant 0 : i32
      %dma_start3A_619 = tpu.memref_slice %arg2[%dma_start3A_617, %dma_start3A_618] : memref<100000x128xf32, #tpu.memory_space<hbm>> -> memref<100000x128xf32, #tpu.memory_space<hbm>>
      tpu.enqueue_indirect_dma source(%dma_start3A_619 : memref<100000x128xf32, #tpu.memory_space<hbm>>) target(%arg10 : memref<64x128xf32, #tpu.memory_space<vmem>>) offsets(%dma_start3A_616 : memref<64xi32, #tpu.memory_space<vmem>>) semaphore(%arg17 : memref<!tpu.dma_semaphore, #tpu.memory_space<semaphore_mem>>)
      %add3A_620 = arith.constant 136 : i32
      %add3A_621 = arith.addi %multiple_of3A_607, %add3A_620 : i32
      %dma_start3A_622 = tpu.memref_slice %arg5[%add3A_621] : memref<25600xi32, #tpu.memory_space<vmem>> -> memref<64xi32, #tpu.memory_space<vmem>>
      %dma_start3A_623 = arith.constant 0 : i32
      %dma_start3A_624 = arith.constant 0 : i32
      %dma_start3A_625 = tpu.memref_slice %arg2[%dma_start3A_623, %dma_start3A_624] : memref<100000x128xf32, #tpu.memory_space<hbm>> -> memref<100000x128xf32, #tpu.memory_space<hbm>>
      tpu.enqueue_indirect_dma source(%dma_start3A_625 : memref<100000x128xf32, #tpu.memory_space<hbm>>) target(%arg11 : memref<64x128xf32, #tpu.memory_space<vmem>>) offsets(%dma_start3A_622 : memref<64xi32, #tpu.memory_space<vmem>>) semaphore(%arg17 : memref<!tpu.dma_semaphore, #tpu.memory_space<semaphore_mem>>)
      %dma_wait3A_626 = arith.constant 0 : i32
      %dma_wait3A_627 = arith.constant 0 : i32
      %dma_wait3A_628 = tpu.memref_slice %arg2[%dma_wait3A_626, %dma_wait3A_627] : memref<100000x128xf32, #tpu.memory_space<hbm>> -> memref<72x128xf32, #tpu.memory_space<hbm>>
      %dma_wait3A_629 = arith.constant 0 : i32
      %dma_wait3A_630 = arith.constant 0 : i32
      %dma_wait3A_631 = tpu.memref_slice %arg2[%dma_wait3A_629, %dma_wait3A_630] : memref<100000x128xf32, #tpu.memory_space<hbm>> -> memref<72x128xf32, #tpu.memory_space<hbm>>
      tpu.wait_dma2 semaphore(%arg18 : memref<!tpu.dma_semaphore, #tpu.memory_space<semaphore_mem>>) src(%dma_wait3A_631 : memref<72x128xf32, #tpu.memory_space<hbm>>) dst(%arg12 : memref<72x128xf32, #tpu.memory_space<vmem>>)
      %dma_wait3A_632 = arith.constant 0 : i32
      %dma_wait3A_633 = arith.constant 0 : i32
      %dma_wait3A_634 = tpu.memref_slice %arg2[%dma_wait3A_632, %dma_wait3A_633] : memref<100000x128xf32, #tpu.memory_space<hbm>> -> memref<64x128xf32, #tpu.memory_space<hbm>>
      %dma_wait3A_635 = arith.constant 0 : i32
      %dma_wait3A_636 = arith.constant 0 : i32
      %dma_wait3A_637 = tpu.memref_slice %arg2[%dma_wait3A_635, %dma_wait3A_636] : memref<100000x128xf32, #tpu.memory_space<hbm>> -> memref<64x128xf32, #tpu.memory_space<hbm>>
      tpu.wait_dma2 semaphore(%arg18 : memref<!tpu.dma_semaphore, #tpu.memory_space<semaphore_mem>>) src(%dma_wait3A_637 : memref<64x128xf32, #tpu.memory_space<hbm>>) dst(%arg13 : memref<64x128xf32, #tpu.memory_space<vmem>>)
      %dma_wait3A_638 = arith.constant 0 : i32
      %dma_wait3A_639 = arith.constant 0 : i32
      %dma_wait3A_640 = tpu.memref_slice %arg2[%dma_wait3A_638, %dma_wait3A_639] : memref<100000x128xf32, #tpu.memory_space<hbm>> -> memref<64x128xf32, #tpu.memory_space<hbm>>
      %dma_wait3A_641 = arith.constant 0 : i32
      %dma_wait3A_642 = arith.constant 0 : i32
      %dma_wait3A_643 = tpu.memref_slice %arg2[%dma_wait3A_641, %dma_wait3A_642] : memref<100000x128xf32, #tpu.memory_space<hbm>> -> memref<64x128xf32, #tpu.memory_space<hbm>>
      tpu.wait_dma2 semaphore(%arg18 : memref<!tpu.dma_semaphore, #tpu.memory_space<semaphore_mem>>) src(%dma_wait3A_643 : memref<64x128xf32, #tpu.memory_space<hbm>>) dst(%arg14 : memref<64x128xf32, #tpu.memory_space<vmem>>)
      %add3A_644 = arith.constant 2 : i32
      %add3A_645 = arith.addi %add3A_334, %add3A_644 : i32
      %broadcast_in_dim3A_646 = arith.constant 0.000000e+00 : f32
      %broadcast_in_dim3A_647 = vector.broadcast %broadcast_in_dim3A_646 : f32 to vector<16xf32>
      %broadcast_in_dim3A_648 = arith.constant 0.000000e+00 : f32
      %broadcast_in_dim3A_649 = vector.broadcast %broadcast_in_dim3A_648 : f32 to vector<16xf32>
      %broadcast_in_dim3A_650 = arith.constant 0.000000e+00 : f32
      %broadcast_in_dim3A_651 = vector.broadcast %broadcast_in_dim3A_650 : f32 to vector<16xf32>
      %broadcast_in_dim3A_652 = arith.constant 0.000000e+00 : f32
      %broadcast_in_dim3A_653 = vector.broadcast %broadcast_in_dim3A_652 : f32 to vector<16xf32>
      %broadcast_in_dim3A_654 = arith.constant 0.000000e+00 : f32
      %broadcast_in_dim3A_655 = vector.broadcast %broadcast_in_dim3A_654 : f32 to vector<16xf32>
      %broadcast_in_dim3A_656 = arith.constant 0.000000e+00 : f32
      %broadcast_in_dim3A_657 = vector.broadcast %broadcast_in_dim3A_656 : f32 to vector<16xf32>
      %broadcast_in_dim3A_658 = arith.constant 0.000000e+00 : f32
      %broadcast_in_dim3A_659 = vector.broadcast %broadcast_in_dim3A_658 : f32 to vector<16xf32>
      %broadcast_in_dim3A_660 = arith.constant 0.000000e+00 : f32
      %broadcast_in_dim3A_661 = vector.broadcast %broadcast_in_dim3A_660 : f32 to vector<16xf32>
      %scan3A_662 = arith.constant 0 : i32
      %scan3A_663 = arith.constant 72 : i32
      %scan3A_664 = arith.addi %scan3A_662, %scan3A_663 : i32
      %scan3A_665 = arith.constant 1 : i32
      %scan3A_666:8 = scf.for %scan3A_773 = %scan3A_662 to %scan3A_664 step %scan3A_665 iter_args(%scan3A_774 = %broadcast_in_dim3A_647, %scan3A_775 = %broadcast_in_dim3A_649, %scan3A_776 = %broadcast_in_dim3A_651, %scan3A_777 = %broadcast_in_dim3A_653, %scan3A_778 = %broadcast_in_dim3A_655, %scan3A_779 = %broadcast_in_dim3A_657, %scan3A_780 = %broadcast_in_dim3A_659, %scan3A_781 = %broadcast_in_dim3A_661) -> (vector<16xf32>, vector<16xf32>, vector<16xf32>, vector<16xf32>, vector<16xf32>, vector<16xf32>, vector<16xf32>, vector<16xf32>)  : i32 {
        %get3A = arith.index_cast %scan3A_773 : i32 to index
        %get3A_782 = arith.constant 0 : index
        %get3A_783 = tpu.vector_load %arg12[%get3A, %get3A_782] {strides = array<i32>} : memref<72x128xf32, #tpu.memory_space<vmem>>, vector<1x16xf32>,
        %get3A_784 = vector.shape_cast %get3A_783 : vector<1x16xf32> to vector<16xf32>
        %add3A_785 = arith.addf %scan3A_774, %get3A_784 : vector<16xf32>
        %get3A_786 = arith.index_cast %scan3A_773 : i32 to index
        %get3A_787 = arith.constant 16 : index
        %get3A_788 = tpu.vector_load %arg12[%get3A_786, %get3A_787] {strides = array<i32>} : memref<72x128xf32, #tpu.memory_space<vmem>>, vector<1x16xf32>,
        %get3A_789 = vector.shape_cast %get3A_788 : vector<1x16xf32> to vector<16xf32>
        %add3A_790 = arith.addf %scan3A_775, %get3A_789 : vector<16xf32>
        %get3A_791 = arith.index_cast %scan3A_773 : i32 to index
        %get3A_792 = arith.constant 32 : index
        %get3A_793 = tpu.vector_load %arg12[%get3A_791, %get3A_792] {strides = array<i32>} : memref<72x128xf32, #tpu.memory_space<vmem>>, vector<1x16xf32>,
        %get3A_794 = vector.shape_cast %get3A_793 : vector<1x16xf32> to vector<16xf32>
        %add3A_795 = arith.addf %scan3A_776, %get3A_794 : vector<16xf32>
        %get3A_796 = arith.index_cast %scan3A_773 : i32 to index
        %get3A_797 = arith.constant 48 : index
        %get3A_798 = tpu.vector_load %arg12[%get3A_796, %get3A_797] {strides = array<i32>} : memref<72x128xf32, #tpu.memory_space<vmem>>, vector<1x16xf32>,
        %get3A_799 = vector.shape_cast %get3A_798 : vector<1x16xf32> to vector<16xf32>
        %add3A_800 = arith.addf %scan3A_777, %get3A_799 : vector<16xf32>
        %get3A_801 = arith.index_cast %scan3A_773 : i32 to index
        %get3A_802 = arith.constant 64 : index
        %get3A_803 = tpu.vector_load %arg12[%get3A_801, %get3A_802] {strides = array<i32>} : memref<72x128xf32, #tpu.memory_space<vmem>>, vector<1x16xf32>,
        %get3A_804 = vector.shape_cast %get3A_803 : vector<1x16xf32> to vector<16xf32>
        %add3A_805 = arith.addf %scan3A_778, %get3A_804 : vector<16xf32>
        %get3A_806 = arith.index_cast %scan3A_773 : i32 to index
        %get3A_807 = arith.constant 80 : index
        %get3A_808 = tpu.vector_load %arg12[%get3A_806, %get3A_807] {strides = array<i32>} : memref<72x128xf32, #tpu.memory_space<vmem>>, vector<1x16xf32>,
        %get3A_809 = vector.shape_cast %get3A_808 : vector<1x16xf32> to vector<16xf32>
        %add3A_810 = arith.addf %scan3A_779, %get3A_809 : vector<16xf32>
        %get3A_811 = arith.index_cast %scan3A_773 : i32 to index
        %get3A_812 = arith.constant 96 : index
        %get3A_813 = tpu.vector_load %arg12[%get3A_811, %get3A_812] {strides = array<i32>} : memref<72x128xf32, #tpu.memory_space<vmem>>, vector<1x16xf32>,
        %get3A_814 = vector.shape_cast %get3A_813 : vector<1x16xf32> to vector<16xf32>
        %add3A_815 = arith.addf %scan3A_780, %get3A_814 : vector<16xf32>
        %get3A_816 = arith.index_cast %scan3A_773 : i32 to index
        %get3A_817 = arith.constant 112 : index
        %get3A_818 = tpu.vector_load %arg12[%get3A_816, %get3A_817] {strides = array<i32>} : memref<72x128xf32, #tpu.memory_space<vmem>>, vector<1x16xf32>,
        %get3A_819 = vector.shape_cast %get3A_818 : vector<1x16xf32> to vector<16xf32>
        %add3A_820 = arith.addf %scan3A_781, %get3A_819 : vector<16xf32>
        scf.yield %add3A_785, %add3A_790, %add3A_795, %add3A_800, %add3A_805, %add3A_810, %add3A_815, %add3A_820 : vector<16xf32>, vector<16xf32>, vector<16xf32>, vector<16xf32>, vector<16xf32>, vector<16xf32>, vector<16xf32>, vector<16xf32>
      }
      %scan3A_667 = arith.constant 72 : i32
      %scan3A_668 = arith.constant 0 : i32
      %scan3A_669 = arith.constant 64 : i32
      %scan3A_670 = arith.addi %scan3A_668, %scan3A_669 : i32
      %scan3A_671 = arith.constant 1 : i32
      %scan3A_672:8 = scf.for %scan3A_773 = %scan3A_668 to %scan3A_670 step %scan3A_671 iter_args(%scan3A_774 = %scan3A_666#0, %scan3A_775 = %scan3A_666#1, %scan3A_776 = %scan3A_666#2, %scan3A_777 = %scan3A_666#3, %scan3A_778 = %scan3A_666#4, %scan3A_779 = %scan3A_666#5, %scan3A_780 = %scan3A_666#6, %scan3A_781 = %scan3A_666#7) -> (vector<16xf32>, vector<16xf32>, vector<16xf32>, vector<16xf32>, vector<16xf32>, vector<16xf32>, vector<16xf32>, vector<16xf32>)  : i32 {
        %get3A = arith.index_cast %scan3A_773 : i32 to index
        %get3A_782 = arith.constant 0 : index
        %get3A_783 = tpu.vector_load %arg13[%get3A, %get3A_782] {strides = array<i32>} : memref<64x128xf32, #tpu.memory_space<vmem>>, vector<1x16xf32>,
        %get3A_784 = vector.shape_cast %get3A_783 : vector<1x16xf32> to vector<16xf32>
        %add3A_785 = arith.addf %scan3A_774, %get3A_784 : vector<16xf32>
        %get3A_786 = arith.index_cast %scan3A_773 : i32 to index
        %get3A_787 = arith.constant 16 : index
        %get3A_788 = tpu.vector_load %arg13[%get3A_786, %get3A_787] {strides = array<i32>} : memref<64x128xf32, #tpu.memory_space<vmem>>, vector<1x16xf32>,
        %get3A_789 = vector.shape_cast %get3A_788 : vector<1x16xf32> to vector<16xf32>
        %add3A_790 = arith.addf %scan3A_775, %get3A_789 : vector<16xf32>
        %get3A_791 = arith.index_cast %scan3A_773 : i32 to index
        %get3A_792 = arith.constant 32 : index
        %get3A_793 = tpu.vector_load %arg13[%get3A_791, %get3A_792] {strides = array<i32>} : memref<64x128xf32, #tpu.memory_space<vmem>>, vector<1x16xf32>,
        %get3A_794 = vector.shape_cast %get3A_793 : vector<1x16xf32> to vector<16xf32>
        %add3A_795 = arith.addf %scan3A_776, %get3A_794 : vector<16xf32>
        %get3A_796 = arith.index_cast %scan3A_773 : i32 to index
        %get3A_797 = arith.constant 48 : index
        %get3A_798 = tpu.vector_load %arg13[%get3A_796, %get3A_797] {strides = array<i32>} : memref<64x128xf32, #tpu.memory_space<vmem>>, vector<1x16xf32>,
        %get3A_799 = vector.shape_cast %get3A_798 : vector<1x16xf32> to vector<16xf32>
        %add3A_800 = arith.addf %scan3A_777, %get3A_799 : vector<16xf32>
        %get3A_801 = arith.index_cast %scan3A_773 : i32 to index
        %get3A_802 = arith.constant 64 : index
        %get3A_803 = tpu.vector_load %arg13[%get3A_801, %get3A_802] {strides = array<i32>} : memref<64x128xf32, #tpu.memory_space<vmem>>, vector<1x16xf32>,
        %get3A_804 = vector.shape_cast %get3A_803 : vector<1x16xf32> to vector<16xf32>
        %add3A_805 = arith.addf %scan3A_778, %get3A_804 : vector<16xf32>
        %get3A_806 = arith.index_cast %scan3A_773 : i32 to index
        %get3A_807 = arith.constant 80 : index
        %get3A_808 = tpu.vector_load %arg13[%get3A_806, %get3A_807] {strides = array<i32>} : memref<64x128xf32, #tpu.memory_space<vmem>>, vector<1x16xf32>,
        %get3A_809 = vector.shape_cast %get3A_808 : vector<1x16xf32> to vector<16xf32>
        %add3A_810 = arith.addf %scan3A_779, %get3A_809 : vector<16xf32>
        %get3A_811 = arith.index_cast %scan3A_773 : i32 to index
        %get3A_812 = arith.constant 96 : index
        %get3A_813 = tpu.vector_load %arg13[%get3A_811, %get3A_812] {strides = array<i32>} : memref<64x128xf32, #tpu.memory_space<vmem>>, vector<1x16xf32>,
        %get3A_814 = vector.shape_cast %get3A_813 : vector<1x16xf32> to vector<16xf32>
        %add3A_815 = arith.addf %scan3A_780, %get3A_814 : vector<16xf32>
        %get3A_816 = arith.index_cast %scan3A_773 : i32 to index
        %get3A_817 = arith.constant 112 : index
        %get3A_818 = tpu.vector_load %arg13[%get3A_816, %get3A_817] {strides = array<i32>} : memref<64x128xf32, #tpu.memory_space<vmem>>, vector<1x16xf32>,
        %get3A_819 = vector.shape_cast %get3A_818 : vector<1x16xf32> to vector<16xf32>
        %add3A_820 = arith.addf %scan3A_781, %get3A_819 : vector<16xf32>
        scf.yield %add3A_785, %add3A_790, %add3A_795, %add3A_800, %add3A_805, %add3A_810, %add3A_815, %add3A_820 : vector<16xf32>, vector<16xf32>, vector<16xf32>, vector<16xf32>, vector<16xf32>, vector<16xf32>, vector<16xf32>, vector<16xf32>
      }
      %scan3A_673 = arith.constant 64 : i32
      %scan3A_674 = arith.constant 0 : i32
      %scan3A_675 = arith.constant 64 : i32
      %scan3A_676 = arith.addi %scan3A_674, %scan3A_675 : i32
      %scan3A_677 = arith.constant 1 : i32
      %scan3A_678:8 = scf.for %scan3A_773 = %scan3A_674 to %scan3A_676 step %scan3A_677 iter_args(%scan3A_774 = %scan3A_672#0, %scan3A_775 = %scan3A_672#1, %scan3A_776 = %scan3A_672#2, %scan3A_777 = %scan3A_672#3, %scan3A_778 = %scan3A_672#4, %scan3A_779 = %scan3A_672#5, %scan3A_780 = %scan3A_672#6, %scan3A_781 = %scan3A_672#7) -> (vector<16xf32>, vector<16xf32>, vector<16xf32>, vector<16xf32>, vector<16xf32>, vector<16xf32>, vector<16xf32>, vector<16xf32>)  : i32 {
        %get3A = arith.index_cast %scan3A_773 : i32 to index
        %get3A_782 = arith.constant 0 : index
        %get3A_783 = tpu.vector_load %arg14[%get3A, %get3A_782] {strides = array<i32>} : memref<64x128xf32, #tpu.memory_space<vmem>>, vector<1x16xf32>,
        %get3A_784 = vector.shape_cast %get3A_783 : vector<1x16xf32> to vector<16xf32>
        %add3A_785 = arith.addf %scan3A_774, %get3A_784 : vector<16xf32>
        %get3A_786 = arith.index_cast %scan3A_773 : i32 to index
        %get3A_787 = arith.constant 16 : index
        %get3A_788 = tpu.vector_load %arg14[%get3A_786, %get3A_787] {strides = array<i32>} : memref<64x128xf32, #tpu.memory_space<vmem>>, vector<1x16xf32>,
        %get3A_789 = vector.shape_cast %get3A_788 : vector<1x16xf32> to vector<16xf32>
        %add3A_790 = arith.addf %scan3A_775, %get3A_789 : vector<16xf32>
        %get3A_791 = arith.index_cast %scan3A_773 : i32 to index
        %get3A_792 = arith.constant 32 : index
        %get3A_793 = tpu.vector_load %arg14[%get3A_791, %get3A_792] {strides = array<i32>} : memref<64x128xf32, #tpu.memory_space<vmem>>, vector<1x16xf32>,
        %get3A_794 = vector.shape_cast %get3A_793 : vector<1x16xf32> to vector<16xf32>
        %add3A_795 = arith.addf %scan3A_776, %get3A_794 : vector<16xf32>
        %get3A_796 = arith.index_cast %scan3A_773 : i32 to index
        %get3A_797 = arith.constant 48 : index
        %get3A_798 = tpu.vector_load %arg14[%get3A_796, %get3A_797] {strides = array<i32>} : memref<64x128xf32, #tpu.memory_space<vmem>>, vector<1x16xf32>,
        %get3A_799 = vector.shape_cast %get3A_798 : vector<1x16xf32> to vector<16xf32>
        %add3A_800 = arith.addf %scan3A_777, %get3A_799 : vector<16xf32>
        %get3A_801 = arith.index_cast %scan3A_773 : i32 to index
        %get3A_802 = arith.constant 64 : index
        %get3A_803 = tpu.vector_load %arg14[%get3A_801, %get3A_802] {strides = array<i32>} : memref<64x128xf32, #tpu.memory_space<vmem>>, vector<1x16xf32>,
        %get3A_804 = vector.shape_cast %get3A_803 : vector<1x16xf32> to vector<16xf32>
        %add3A_805 = arith.addf %scan3A_778, %get3A_804 : vector<16xf32>
        %get3A_806 = arith.index_cast %scan3A_773 : i32 to index
        %get3A_807 = arith.constant 80 : index
        %get3A_808 = tpu.vector_load %arg14[%get3A_806, %get3A_807] {strides = array<i32>} : memref<64x128xf32, #tpu.memory_space<vmem>>, vector<1x16xf32>,
        %get3A_809 = vector.shape_cast %get3A_808 : vector<1x16xf32> to vector<16xf32>
        %add3A_810 = arith.addf %scan3A_779, %get3A_809 : vector<16xf32>
        %get3A_811 = arith.index_cast %scan3A_773 : i32 to index
        %get3A_812 = arith.constant 96 : index
        %get3A_813 = tpu.vector_load %arg14[%get3A_811, %get3A_812] {strides = array<i32>} : memref<64x128xf32, #tpu.memory_space<vmem>>, vector<1x16xf32>,
        %get3A_814 = vector.shape_cast %get3A_813 : vector<1x16xf32> to vector<16xf32>
        %add3A_815 = arith.addf %scan3A_780, %get3A_814 : vector<16xf32>
        %get3A_816 = arith.index_cast %scan3A_773 : i32 to index
        %get3A_817 = arith.constant 112 : index
        %get3A_818 = tpu.vector_load %arg14[%get3A_816, %get3A_817] {strides = array<i32>} : memref<64x128xf32, #tpu.memory_space<vmem>>, vector<1x16xf32>,
        %get3A_819 = vector.shape_cast %get3A_818 : vector<1x16xf32> to vector<16xf32>
        %add3A_820 = arith.addf %scan3A_781, %get3A_819 : vector<16xf32>
        scf.yield %add3A_785, %add3A_790, %add3A_795, %add3A_800, %add3A_805, %add3A_810, %add3A_815, %add3A_820 : vector<16xf32>, vector<16xf32>, vector<16xf32>, vector<16xf32>, vector<16xf32>, vector<16xf32>, vector<16xf32>, vector<16xf32>
      }
      %scan3A_679 = arith.constant 64 : i32
      %mul3A_680 = arith.constant 5.000000e-03 : f32
      %mul3A_681 = vector.broadcast %mul3A_680 : f32 to vector<16xf32>
      %mul3A_682 = arith.mulf %scan3A_678#0, %mul3A_681 : vector<16xf32>
      %swap3A_683 = arith.index_cast %add3A_645 : i32 to index
      %swap3A_684 = arith.constant 0 : index
      %swap3A_685 = tpu.vector_load %arg15[%swap3A_683, %swap3A_684] {strides = array<i32>} : memref<128x128xf32, #tpu.memory_space<vmem>>, vector<1x16xf32>,
      %swap3A_686 = vector.shape_cast %swap3A_685 : vector<1x16xf32> to vector<16xf32>
      %swap3A_687 = vector.shape_cast %mul3A_682 : vector<16xf32> to vector<1x16xf32>
      tpu.vector_store %arg15[%swap3A_683, %swap3A_684], %swap3A_687 {strides = array<i32>} : memref<128x128xf32, #tpu.memory_space<vmem>>, vector<1x16xf32>,
      %mul3A_688 = arith.constant 5.000000e-03 : f32
      %mul3A_689 = vector.broadcast %mul3A_688 : f32 to vector<16xf32>
      %mul3A_690 = arith.mulf %scan3A_678#1, %mul3A_689 : vector<16xf32>
      %swap3A_691 = arith.index_cast %add3A_645 : i32 to index
      %swap3A_692 = arith.constant 16 : index
      %swap3A_693 = tpu.vector_load %arg15[%swap3A_691, %swap3A_692] {strides = array<i32>} : memref<128x128xf32, #tpu.memory_space<vmem>>, vector<1x16xf32>,
      %swap3A_694 = vector.shape_cast %swap3A_693 : vector<1x16xf32> to vector<16xf32>
      %swap3A_695 = vector.shape_cast %mul3A_690 : vector<16xf32> to vector<1x16xf32>
      tpu.vector_store %arg15[%swap3A_691, %swap3A_692], %swap3A_695 {strides = array<i32>} : memref<128x128xf32, #tpu.memory_space<vmem>>, vector<1x16xf32>,
      %mul3A_696 = arith.constant 5.000000e-03 : f32
      %mul3A_697 = vector.broadcast %mul3A_696 : f32 to vector<16xf32>
      %mul3A_698 = arith.mulf %scan3A_678#2, %mul3A_697 : vector<16xf32>
      %swap3A_699 = arith.index_cast %add3A_645 : i32 to index
      %swap3A_700 = arith.constant 32 : index
      %swap3A_701 = tpu.vector_load %arg15[%swap3A_699, %swap3A_700] {strides = array<i32>} : memref<128x128xf32, #tpu.memory_space<vmem>>, vector<1x16xf32>,
      %swap3A_702 = vector.shape_cast %swap3A_701 : vector<1x16xf32> to vector<16xf32>
      %swap3A_703 = vector.shape_cast %mul3A_698 : vector<16xf32> to vector<1x16xf32>
      tpu.vector_store %arg15[%swap3A_699, %swap3A_700], %swap3A_703 {strides = array<i32>} : memref<128x128xf32, #tpu.memory_space<vmem>>, vector<1x16xf32>,
      %mul3A_704 = arith.constant 5.000000e-03 : f32
      %mul3A_705 = vector.broadcast %mul3A_704 : f32 to vector<16xf32>
      %mul3A_706 = arith.mulf %scan3A_678#3, %mul3A_705 : vector<16xf32>
      %swap3A_707 = arith.index_cast %add3A_645 : i32 to index
      %swap3A_708 = arith.constant 48 : index
      %swap3A_709 = tpu.vector_load %arg15[%swap3A_707, %swap3A_708] {strides = array<i32>} : memref<128x128xf32, #tpu.memory_space<vmem>>, vector<1x16xf32>,
      %swap3A_710 = vector.shape_cast %swap3A_709 : vector<1x16xf32> to vector<16xf32>
      %swap3A_711 = vector.shape_cast %mul3A_706 : vector<16xf32> to vector<1x16xf32>
      tpu.vector_store %arg15[%swap3A_707, %swap3A_708], %swap3A_711 {strides = array<i32>} : memref<128x128xf32, #tpu.memory_space<vmem>>, vector<1x16xf32>,
      %mul3A_712 = arith.constant 5.000000e-03 : f32
      %mul3A_713 = vector.broadcast %mul3A_712 : f32 to vector<16xf32>
      %mul3A_714 = arith.mulf %scan3A_678#4, %mul3A_713 : vector<16xf32>
      %swap3A_715 = arith.index_cast %add3A_645 : i32 to index
      %swap3A_716 = arith.constant 64 : index
      %swap3A_717 = tpu.vector_load %arg15[%swap3A_715, %swap3A_716] {strides = array<i32>} : memref<128x128xf32, #tpu.memory_space<vmem>>, vector<1x16xf32>,
      %swap3A_718 = vector.shape_cast %swap3A_717 : vector<1x16xf32> to vector<16xf32>
      %swap3A_719 = vector.shape_cast %mul3A_714 : vector<16xf32> to vector<1x16xf32>
      tpu.vector_store %arg15[%swap3A_715, %swap3A_716], %swap3A_719 {strides = array<i32>} : memref<128x128xf32, #tpu.memory_space<vmem>>, vector<1x16xf32>,
      %mul3A_720 = arith.constant 5.000000e-03 : f32
      %mul3A_721 = vector.broadcast %mul3A_720 : f32 to vector<16xf32>
      %mul3A_722 = arith.mulf %scan3A_678#5, %mul3A_721 : vector<16xf32>
      %swap3A_723 = arith.index_cast %add3A_645 : i32 to index
      %swap3A_724 = arith.constant 80 : index
      %swap3A_725 = tpu.vector_load %arg15[%swap3A_723, %swap3A_724] {strides = array<i32>} : memref<128x128xf32, #tpu.memory_space<vmem>>, vector<1x16xf32>,
      %swap3A_726 = vector.shape_cast %swap3A_725 : vector<1x16xf32> to vector<16xf32>
      %swap3A_727 = vector.shape_cast %mul3A_722 : vector<16xf32> to vector<1x16xf32>
      tpu.vector_store %arg15[%swap3A_723, %swap3A_724], %swap3A_727 {strides = array<i32>} : memref<128x128xf32, #tpu.memory_space<vmem>>, vector<1x16xf32>,
      %mul3A_728 = arith.constant 5.000000e-03 : f32
      %mul3A_729 = vector.broadcast %mul3A_728 : f32 to vector<16xf32>
      %mul3A_730 = arith.mulf %scan3A_678#6, %mul3A_729 : vector<16xf32>
      %swap3A_731 = arith.index_cast %add3A_645 : i32 to index
      %swap3A_732 = arith.constant 96 : index
      %swap3A_733 = tpu.vector_load %arg15[%swap3A_731, %swap3A_732] {strides = array<i32>} : memref<128x128xf32, #tpu.memory_space<vmem>>, vector<1x16xf32>,
      %swap3A_734 = vector.shape_cast %swap3A_733 : vector<1x16xf32> to vector<16xf32>
      %swap3A_735 = vector.shape_cast %mul3A_730 : vector<16xf32> to vector<1x16xf32>
      tpu.vector_store %arg15[%swap3A_731, %swap3A_732], %swap3A_735 {strides = array<i32>} : memref<128x128xf32, #tpu.memory_space<vmem>>, vector<1x16xf32>,
      %mul3A_736 = arith.constant 5.000000e-03 : f32
      %mul3A_737 = vector.broadcast %mul3A_736 : f32 to vector<16xf32>
      %mul3A_738 = arith.mulf %scan3A_678#7, %mul3A_737 : vector<16xf32>
      %swap3A_739 = arith.index_cast %add3A_645 : i32 to index
      %swap3A_740 = arith.constant 112 : index
      %swap3A_741 = tpu.vector_load %arg15[%swap3A_739, %swap3A_740] {strides = array<i32>} : memref<128x128xf32, #tpu.memory_space<vmem>>, vector<1x16xf32>,
      %swap3A_742 = vector.shape_cast %swap3A_741 : vector<1x16xf32> to vector<16xf32>
      %swap3A_743 = vector.shape_cast %mul3A_738 : vector<16xf32> to vector<1x16xf32>
      tpu.vector_store %arg15[%swap3A_739, %swap3A_740], %swap3A_743 {strides = array<i32>} : memref<128x128xf32, #tpu.memory_space<vmem>>, vector<1x16xf32>,
      %add3A_744 = arith.constant 3 : i32
      %add3A_745 = arith.addi %add3A_334, %add3A_744 : i32
      %add3A_746 = arith.constant 2 : i32
      %add3A_747 = arith.addi %add3A_745, %add3A_746 : i32
      %ge3A_748 = arith.constant 128 : i32
      %ge3A_749 = arith.cmpi sge, %add3A_747, %ge3A_748 : i32
      %jit3A_750 = arith.constant 2 : i32
      %select_n3A_751 = arith.select %ge3A_749, %jit3A_750, %add3A_747 : i32
      %mul3A_752 = arith.constant 200 : i32
      %mul3A_753 = arith.muli %select_n3A_751, %mul3A_752 : i32
      %multiple_of3A_754 = tpu.assume_multiple %mul3A_753, 8 : i32
      %add3A_755 = arith.constant 0 : i32
      %add3A_756 = arith.addi %multiple_of3A_754, %add3A_755 : i32
      %dma_start3A_757 = tpu.memref_slice %arg5[%add3A_756] : memref<25600xi32, #tpu.memory_space<vmem>> -> memref<72xi32, #tpu.memory_space<vmem>>
      %dma_start3A_758 = arith.constant 0 : i32
      %dma_start3A_759 = arith.constant 0 : i32
      %dma_start3A_760 = tpu.memref_slice %arg2[%dma_start3A_758, %dma_start3A_759] : memref<100000x128xf32, #tpu.memory_space<hbm>> -> memref<100000x128xf32, #tpu.memory_space<hbm>>
      tpu.enqueue_indirect_dma source(%dma_start3A_760 : memref<100000x128xf32, #tpu.memory_space<hbm>>) target(%arg12 : memref<72x128xf32, #tpu.memory_space<vmem>>) offsets(%dma_start3A_757 : memref<72xi32, #tpu.memory_space<vmem>>) semaphore(%arg18 : memref<!tpu.dma_semaphore, #tpu.memory_space<semaphore_mem>>)
      %add3A_761 = arith.constant 72 : i32
      %add3A_762 = arith.addi %multiple_of3A_754, %add3A_761 : i32
      %dma_start3A_763 = tpu.memref_slice %arg5[%add3A_762] : memref<25600xi32, #tpu.memory_space<vmem>> -> memref<64xi32, #tpu.memory_space<vmem>>
      %dma_start3A_764 = arith.constant 0 : i32
      %dma_start3A_765 = arith.constant 0 : i32
      %dma_start3A_766 = tpu.memref_slice %arg2[%dma_start3A_764, %dma_start3A_765] : memref<100000x128xf32, #tpu.memory_space<hbm>> -> memref<100000x128xf32, #tpu.memory_space<hbm>>
      tpu.enqueue_indirect_dma source(%dma_start3A_766 : memref<100000x128xf32, #tpu.memory_space<hbm>>) target(%arg13 : memref<64x128xf32, #tpu.memory_space<vmem>>) offsets(%dma_start3A_763 : memref<64xi32, #tpu.memory_space<vmem>>) semaphore(%arg18 : memref<!tpu.dma_semaphore, #tpu.memory_space<semaphore_mem>>)
      %add3A_767 = arith.constant 136 : i32
      %add3A_768 = arith.addi %multiple_of3A_754, %add3A_767 : i32
      %dma_start3A_769 = tpu.memref_slice %arg5[%add3A_768] : memref<25600xi32, #tpu.memory_space<vmem>> -> memref<64xi32, #tpu.memory_space<vmem>>
      %dma_start3A_770 = arith.constant 0 : i32
      %dma_start3A_771 = arith.constant 0 : i32
      %dma_start3A_772 = tpu.memref_slice %arg2[%dma_start3A_770, %dma_start3A_771] : memref<100000x128xf32, #tpu.memory_space<hbm>> -> memref<100000x128xf32, #tpu.memory_space<hbm>>
      tpu.enqueue_indirect_dma source(%dma_start3A_772 : memref<100000x128xf32, #tpu.memory_space<hbm>>) target(%arg14 : memref<64x128xf32, #tpu.memory_space<vmem>>) offsets(%dma_start3A_769 : memref<64xi32, #tpu.memory_space<vmem>>) semaphore(%arg18 : memref<!tpu.dma_semaphore, #tpu.memory_space<semaphore_mem>>)
    }
    %scan3A_66 = arith.constant 42 : i32
    %dma_wait3A = arith.constant 0 : i32
    %dma_wait3A_67 = arith.constant 0 : i32
    %dma_wait3A_68 = tpu.memref_slice %arg2[%dma_wait3A, %dma_wait3A_67] : memref<100000x128xf32, #tpu.memory_space<hbm>> -> memref<72x128xf32, #tpu.memory_space<hbm>>
    %dma_wait3A_69 = arith.constant 0 : i32
    %dma_wait3A_70 = arith.constant 0 : i32
    %dma_wait3A_71 = tpu.memref_slice %arg2[%dma_wait3A_69, %dma_wait3A_70] : memref<100000x128xf32, #tpu.memory_space<hbm>> -> memref<72x128xf32, #tpu.memory_space<hbm>>
    tpu.wait_dma2 semaphore(%arg16 : memref<!tpu.dma_semaphore, #tpu.memory_space<semaphore_mem>>) src(%dma_wait3A_71 : memref<72x128xf32, #tpu.memory_space<hbm>>) dst(%arg6 : memref<72x128xf32, #tpu.memory_space<vmem>>)
    %dma_wait3A_72 = arith.constant 0 : i32
    %dma_wait3A_73 = arith.constant 0 : i32
    %dma_wait3A_74 = tpu.memref_slice %arg2[%dma_wait3A_72, %dma_wait3A_73] : memref<100000x128xf32, #tpu.memory_space<hbm>> -> memref<64x128xf32, #tpu.memory_space<hbm>>
    %dma_wait3A_75 = arith.constant 0 : i32
    %dma_wait3A_76 = arith.constant 0 : i32
    %dma_wait3A_77 = tpu.memref_slice %arg2[%dma_wait3A_75, %dma_wait3A_76] : memref<100000x128xf32, #tpu.memory_space<hbm>> -> memref<64x128xf32, #tpu.memory_space<hbm>>
    tpu.wait_dma2 semaphore(%arg16 : memref<!tpu.dma_semaphore, #tpu.memory_space<semaphore_mem>>) src(%dma_wait3A_77 : memref<64x128xf32, #tpu.memory_space<hbm>>) dst(%arg7 : memref<64x128xf32, #tpu.memory_space<vmem>>)
    %dma_wait3A_78 = arith.constant 0 : i32
    %dma_wait3A_79 = arith.constant 0 : i32
    %dma_wait3A_80 = tpu.memref_slice %arg2[%dma_wait3A_78, %dma_wait3A_79] : memref<100000x128xf32, #tpu.memory_space<hbm>> -> memref<64x128xf32, #tpu.memory_space<hbm>>
    %dma_wait3A_81 = arith.constant 0 : i32
    %dma_wait3A_82 = arith.constant 0 : i32
    %dma_wait3A_83 = tpu.memref_slice %arg2[%dma_wait3A_81, %dma_wait3A_82] : memref<100000x128xf32, #tpu.memory_space<hbm>> -> memref<64x128xf32, #tpu.memory_space<hbm>>
    tpu.wait_dma2 semaphore(%arg16 : memref<!tpu.dma_semaphore, #tpu.memory_space<semaphore_mem>>) src(%dma_wait3A_83 : memref<64x128xf32, #tpu.memory_space<hbm>>) dst(%arg8 : memref<64x128xf32, #tpu.memory_space<vmem>>)
    %broadcast_in_dim3A = arith.constant 0.000000e+00 : f32
    %broadcast_in_dim3A_84 = vector.broadcast %broadcast_in_dim3A : f32 to vector<16xf32>
    %broadcast_in_dim3A_85 = arith.constant 0.000000e+00 : f32
    %broadcast_in_dim3A_86 = vector.broadcast %broadcast_in_dim3A_85 : f32 to vector<16xf32>
    %broadcast_in_dim3A_87 = arith.constant 0.000000e+00 : f32
    %broadcast_in_dim3A_88 = vector.broadcast %broadcast_in_dim3A_87 : f32 to vector<16xf32>
    %broadcast_in_dim3A_89 = arith.constant 0.000000e+00 : f32
    %broadcast_in_dim3A_90 = vector.broadcast %broadcast_in_dim3A_89 : f32 to vector<16xf32>
    %broadcast_in_dim3A_91 = arith.constant 0.000000e+00 : f32
    %broadcast_in_dim3A_92 = vector.broadcast %broadcast_in_dim3A_91 : f32 to vector<16xf32>
    %broadcast_in_dim3A_93 = arith.constant 0.000000e+00 : f32
    %broadcast_in_dim3A_94 = vector.broadcast %broadcast_in_dim3A_93 : f32 to vector<16xf32>
    %broadcast_in_dim3A_95 = arith.constant 0.000000e+00 : f32
    %broadcast_in_dim3A_96 = vector.broadcast %broadcast_in_dim3A_95 : f32 to vector<16xf32>
    %broadcast_in_dim3A_97 = arith.constant 0.000000e+00 : f32
    %broadcast_in_dim3A_98 = vector.broadcast %broadcast_in_dim3A_97 : f32 to vector<16xf32>
    %scan3A_99 = arith.constant 0 : i32
    %scan3A_100 = arith.constant 72 : i32
    %scan3A_101 = arith.addi %scan3A_99, %scan3A_100 : i32
    %scan3A_102 = arith.constant 1 : i32
    %scan3A_103:8 = scf.for %scan3A_330 = %scan3A_99 to %scan3A_101 step %scan3A_102 iter_args(%scan3A_331 = %broadcast_in_dim3A_84, %scan3A_332 = %broadcast_in_dim3A_86, %scan3A_333 = %broadcast_in_dim3A_88, %scan3A_334 = %broadcast_in_dim3A_90, %scan3A_335 = %broadcast_in_dim3A_92, %scan3A_336 = %broadcast_in_dim3A_94, %scan3A_337 = %broadcast_in_dim3A_96, %scan3A_338 = %broadcast_in_dim3A_98) -> (vector<16xf32>, vector<16xf32>, vector<16xf32>, vector<16xf32>, vector<16xf32>, vector<16xf32>, vector<16xf32>, vector<16xf32>)  : i32 {
      %get3A = arith.index_cast %scan3A_330 : i32 to index
      %get3A_339 = arith.constant 0 : index
      %get3A_340 = tpu.vector_load %arg6[%get3A, %get3A_339] {strides = array<i32>} : memref<72x128xf32, #tpu.memory_space<vmem>>, vector<1x16xf32>,
      %get3A_341 = vector.shape_cast %get3A_340 : vector<1x16xf32> to vector<16xf32>
      %add3A_342 = arith.addf %scan3A_331, %get3A_341 : vector<16xf32>
      %get3A_343 = arith.index_cast %scan3A_330 : i32 to index
      %get3A_344 = arith.constant 16 : index
      %get3A_345 = tpu.vector_load %arg6[%get3A_343, %get3A_344] {strides = array<i32>} : memref<72x128xf32, #tpu.memory_space<vmem>>, vector<1x16xf32>,
      %get3A_346 = vector.shape_cast %get3A_345 : vector<1x16xf32> to vector<16xf32>
      %add3A_347 = arith.addf %scan3A_332, %get3A_346 : vector<16xf32>
      %get3A_348 = arith.index_cast %scan3A_330 : i32 to index
      %get3A_349 = arith.constant 32 : index
      %get3A_350 = tpu.vector_load %arg6[%get3A_348, %get3A_349] {strides = array<i32>} : memref<72x128xf32, #tpu.memory_space<vmem>>, vector<1x16xf32>,
      %get3A_351 = vector.shape_cast %get3A_350 : vector<1x16xf32> to vector<16xf32>
      %add3A_352 = arith.addf %scan3A_333, %get3A_351 : vector<16xf32>
      %get3A_353 = arith.index_cast %scan3A_330 : i32 to index
      %get3A_354 = arith.constant 48 : index
      %get3A_355 = tpu.vector_load %arg6[%get3A_353, %get3A_354] {strides = array<i32>} : memref<72x128xf32, #tpu.memory_space<vmem>>, vector<1x16xf32>,
      %get3A_356 = vector.shape_cast %get3A_355 : vector<1x16xf32> to vector<16xf32>
      %add3A_357 = arith.addf %scan3A_334, %get3A_356 : vector<16xf32>
      %get3A_358 = arith.index_cast %scan3A_330 : i32 to index
      %get3A_359 = arith.constant 64 : index
      %get3A_360 = tpu.vector_load %arg6[%get3A_358, %get3A_359] {strides = array<i32>} : memref<72x128xf32, #tpu.memory_space<vmem>>, vector<1x16xf32>,
      %get3A_361 = vector.shape_cast %get3A_360 : vector<1x16xf32> to vector<16xf32>
      %add3A_362 = arith.addf %scan3A_335, %get3A_361 : vector<16xf32>
      %get3A_363 = arith.index_cast %scan3A_330 : i32 to index
      %get3A_364 = arith.constant 80 : index
      %get3A_365 = tpu.vector_load %arg6[%get3A_363, %get3A_364] {strides = array<i32>} : memref<72x128xf32, #tpu.memory_space<vmem>>, vector<1x16xf32>,
      %get3A_366 = vector.shape_cast %get3A_365 : vector<1x16xf32> to vector<16xf32>
      %add3A_367 = arith.addf %scan3A_336, %get3A_366 : vector<16xf32>
      %get3A_368 = arith.index_cast %scan3A_330 : i32 to index
      %get3A_369 = arith.constant 96 : index
      %get3A_370 = tpu.vector_load %arg6[%get3A_368, %get3A_369] {strides = array<i32>} : memref<72x128xf32, #tpu.memory_space<vmem>>, vector<1x16xf32>,
      %get3A_371 = vector.shape_cast %get3A_370 : vector<1x16xf32> to vector<16xf32>
      %add3A_372 = arith.addf %scan3A_337, %get3A_371 : vector<16xf32>
      %get3A_373 = arith.index_cast %scan3A_330 : i32 to index
      %get3A_374 = arith.constant 112 : index
      %get3A_375 = tpu.vector_load %arg6[%get3A_373, %get3A_374] {strides = array<i32>} : memref<72x128xf32, #tpu.memory_space<vmem>>, vector<1x16xf32>,
      %get3A_376 = vector.shape_cast %get3A_375 : vector<1x16xf32> to vector<16xf32>
      %add3A_377 = arith.addf %scan3A_338, %get3A_376 : vector<16xf32>
      scf.yield %add3A_342, %add3A_347, %add3A_352, %add3A_357, %add3A_362, %add3A_367, %add3A_372, %add3A_377 : vector<16xf32>, vector<16xf32>, vector<16xf32>, vector<16xf32>, vector<16xf32>, vector<16xf32>, vector<16xf32>, vector<16xf32>
    }
    %scan3A_104 = arith.constant 72 : i32
    %scan3A_105 = arith.constant 0 : i32
    %scan3A_106 = arith.constant 64 : i32
    %scan3A_107 = arith.addi %scan3A_105, %scan3A_106 : i32
    %scan3A_108 = arith.constant 1 : i32
    %scan3A_109:8 = scf.for %scan3A_330 = %scan3A_105 to %scan3A_107 step %scan3A_108 iter_args(%scan3A_331 = %scan3A_103#0, %scan3A_332 = %scan3A_103#1, %scan3A_333 = %scan3A_103#2, %scan3A_334 = %scan3A_103#3, %scan3A_335 = %scan3A_103#4, %scan3A_336 = %scan3A_103#5, %scan3A_337 = %scan3A_103#6, %scan3A_338 = %scan3A_103#7) -> (vector<16xf32>, vector<16xf32>, vector<16xf32>, vector<16xf32>, vector<16xf32>, vector<16xf32>, vector<16xf32>, vector<16xf32>)  : i32 {
      %get3A = arith.index_cast %scan3A_330 : i32 to index
      %get3A_339 = arith.constant 0 : index
      %get3A_340 = tpu.vector_load %arg7[%get3A, %get3A_339] {strides = array<i32>} : memref<64x128xf32, #tpu.memory_space<vmem>>, vector<1x16xf32>,
      %get3A_341 = vector.shape_cast %get3A_340 : vector<1x16xf32> to vector<16xf32>
      %add3A_342 = arith.addf %scan3A_331, %get3A_341 : vector<16xf32>
      %get3A_343 = arith.index_cast %scan3A_330 : i32 to index
      %get3A_344 = arith.constant 16 : index
      %get3A_345 = tpu.vector_load %arg7[%get3A_343, %get3A_344] {strides = array<i32>} : memref<64x128xf32, #tpu.memory_space<vmem>>, vector<1x16xf32>,
      %get3A_346 = vector.shape_cast %get3A_345 : vector<1x16xf32> to vector<16xf32>
      %add3A_347 = arith.addf %scan3A_332, %get3A_346 : vector<16xf32>
      %get3A_348 = arith.index_cast %scan3A_330 : i32 to index
      %get3A_349 = arith.constant 32 : index
      %get3A_350 = tpu.vector_load %arg7[%get3A_348, %get3A_349] {strides = array<i32>} : memref<64x128xf32, #tpu.memory_space<vmem>>, vector<1x16xf32>,
      %get3A_351 = vector.shape_cast %get3A_350 : vector<1x16xf32> to vector<16xf32>
      %add3A_352 = arith.addf %scan3A_333, %get3A_351 : vector<16xf32>
      %get3A_353 = arith.index_cast %scan3A_330 : i32 to index
      %get3A_354 = arith.constant 48 : index
      %get3A_355 = tpu.vector_load %arg7[%get3A_353, %get3A_354] {strides = array<i32>} : memref<64x128xf32, #tpu.memory_space<vmem>>, vector<1x16xf32>,
      %get3A_356 = vector.shape_cast %get3A_355 : vector<1x16xf32> to vector<16xf32>
      %add3A_357 = arith.addf %scan3A_334, %get3A_356 : vector<16xf32>
      %get3A_358 = arith.index_cast %scan3A_330 : i32 to index
      %get3A_359 = arith.constant 64 : index
      %get3A_360 = tpu.vector_load %arg7[%get3A_358, %get3A_359] {strides = array<i32>} : memref<64x128xf32, #tpu.memory_space<vmem>>, vector<1x16xf32>,
      %get3A_361 = vector.shape_cast %get3A_360 : vector<1x16xf32> to vector<16xf32>
      %add3A_362 = arith.addf %scan3A_335, %get3A_361 : vector<16xf32>
      %get3A_363 = arith.index_cast %scan3A_330 : i32 to index
      %get3A_364 = arith.constant 80 : index
      %get3A_365 = tpu.vector_load %arg7[%get3A_363, %get3A_364] {strides = array<i32>} : memref<64x128xf32, #tpu.memory_space<vmem>>, vector<1x16xf32>,
      %get3A_366 = vector.shape_cast %get3A_365 : vector<1x16xf32> to vector<16xf32>
      %add3A_367 = arith.addf %scan3A_336, %get3A_366 : vector<16xf32>
      %get3A_368 = arith.index_cast %scan3A_330 : i32 to index
      %get3A_369 = arith.constant 96 : index
      %get3A_370 = tpu.vector_load %arg7[%get3A_368, %get3A_369] {strides = array<i32>} : memref<64x128xf32, #tpu.memory_space<vmem>>, vector<1x16xf32>,
      %get3A_371 = vector.shape_cast %get3A_370 : vector<1x16xf32> to vector<16xf32>
      %add3A_372 = arith.addf %scan3A_337, %get3A_371 : vector<16xf32>
      %get3A_373 = arith.index_cast %scan3A_330 : i32 to index
      %get3A_374 = arith.constant 112 : index
      %get3A_375 = tpu.vector_load %arg7[%get3A_373, %get3A_374] {strides = array<i32>} : memref<64x128xf32, #tpu.memory_space<vmem>>, vector<1x16xf32>,
      %get3A_376 = vector.shape_cast %get3A_375 : vector<1x16xf32> to vector<16xf32>
      %add3A_377 = arith.addf %scan3A_338, %get3A_376 : vector<16xf32>
      scf.yield %add3A_342, %add3A_347, %add3A_352, %add3A_357, %add3A_362, %add3A_367, %add3A_372, %add3A_377 : vector<16xf32>, vector<16xf32>, vector<16xf32>, vector<16xf32>, vector<16xf32>, vector<16xf32>, vector<16xf32>, vector<16xf32>
    }
    %scan3A_110 = arith.constant 64 : i32
    %scan3A_111 = arith.constant 0 : i32
    %scan3A_112 = arith.constant 64 : i32
    %scan3A_113 = arith.addi %scan3A_111, %scan3A_112 : i32
    %scan3A_114 = arith.constant 1 : i32
    %scan3A_115:8 = scf.for %scan3A_330 = %scan3A_111 to %scan3A_113 step %scan3A_114 iter_args(%scan3A_331 = %scan3A_109#0, %scan3A_332 = %scan3A_109#1, %scan3A_333 = %scan3A_109#2, %scan3A_334 = %scan3A_109#3, %scan3A_335 = %scan3A_109#4, %scan3A_336 = %scan3A_109#5, %scan3A_337 = %scan3A_109#6, %scan3A_338 = %scan3A_109#7) -> (vector<16xf32>, vector<16xf32>, vector<16xf32>, vector<16xf32>, vector<16xf32>, vector<16xf32>, vector<16xf32>, vector<16xf32>)  : i32 {
      %get3A = arith.index_cast %scan3A_330 : i32 to index
      %get3A_339 = arith.constant 0 : index
      %get3A_340 = tpu.vector_load %arg8[%get3A, %get3A_339] {strides = array<i32>} : memref<64x128xf32, #tpu.memory_space<vmem>>, vector<1x16xf32>,
      %get3A_341 = vector.shape_cast %get3A_340 : vector<1x16xf32> to vector<16xf32>
      %add3A_342 = arith.addf %scan3A_331, %get3A_341 : vector<16xf32>
      %get3A_343 = arith.index_cast %scan3A_330 : i32 to index
      %get3A_344 = arith.constant 16 : index
      %get3A_345 = tpu.vector_load %arg8[%get3A_343, %get3A_344] {strides = array<i32>} : memref<64x128xf32, #tpu.memory_space<vmem>>, vector<1x16xf32>,
      %get3A_346 = vector.shape_cast %get3A_345 : vector<1x16xf32> to vector<16xf32>
      %add3A_347 = arith.addf %scan3A_332, %get3A_346 : vector<16xf32>
      %get3A_348 = arith.index_cast %scan3A_330 : i32 to index
      %get3A_349 = arith.constant 32 : index
      %get3A_350 = tpu.vector_load %arg8[%get3A_348, %get3A_349] {strides = array<i32>} : memref<64x128xf32, #tpu.memory_space<vmem>>, vector<1x16xf32>,
      %get3A_351 = vector.shape_cast %get3A_350 : vector<1x16xf32> to vector<16xf32>
      %add3A_352 = arith.addf %scan3A_333, %get3A_351 : vector<16xf32>
      %get3A_353 = arith.index_cast %scan3A_330 : i32 to index
      %get3A_354 = arith.constant 48 : index
      %get3A_355 = tpu.vector_load %arg8[%get3A_353, %get3A_354] {strides = array<i32>} : memref<64x128xf32, #tpu.memory_space<vmem>>, vector<1x16xf32>,
      %get3A_356 = vector.shape_cast %get3A_355 : vector<1x16xf32> to vector<16xf32>
      %add3A_357 = arith.addf %scan3A_334, %get3A_356 : vector<16xf32>
      %get3A_358 = arith.index_cast %scan3A_330 : i32 to index
      %get3A_359 = arith.constant 64 : index
      %get3A_360 = tpu.vector_load %arg8[%get3A_358, %get3A_359] {strides = array<i32>} : memref<64x128xf32, #tpu.memory_space<vmem>>, vector<1x16xf32>,
      %get3A_361 = vector.shape_cast %get3A_360 : vector<1x16xf32> to vector<16xf32>
      %add3A_362 = arith.addf %scan3A_335, %get3A_361 : vector<16xf32>
      %get3A_363 = arith.index_cast %scan3A_330 : i32 to index
      %get3A_364 = arith.constant 80 : index
      %get3A_365 = tpu.vector_load %arg8[%get3A_363, %get3A_364] {strides = array<i32>} : memref<64x128xf32, #tpu.memory_space<vmem>>, vector<1x16xf32>,
      %get3A_366 = vector.shape_cast %get3A_365 : vector<1x16xf32> to vector<16xf32>
      %add3A_367 = arith.addf %scan3A_336, %get3A_366 : vector<16xf32>
      %get3A_368 = arith.index_cast %scan3A_330 : i32 to index
      %get3A_369 = arith.constant 96 : index
      %get3A_370 = tpu.vector_load %arg8[%get3A_368, %get3A_369] {strides = array<i32>} : memref<64x128xf32, #tpu.memory_space<vmem>>, vector<1x16xf32>,
      %get3A_371 = vector.shape_cast %get3A_370 : vector<1x16xf32> to vector<16xf32>
      %add3A_372 = arith.addf %scan3A_337, %get3A_371 : vector<16xf32>
      %get3A_373 = arith.index_cast %scan3A_330 : i32 to index
      %get3A_374 = arith.constant 112 : index
      %get3A_375 = tpu.vector_load %arg8[%get3A_373, %get3A_374] {strides = array<i32>} : memref<64x128xf32, #tpu.memory_space<vmem>>, vector<1x16xf32>,
      %get3A_376 = vector.shape_cast %get3A_375 : vector<1x16xf32> to vector<16xf32>
      %add3A_377 = arith.addf %scan3A_338, %get3A_376 : vector<16xf32>
      scf.yield %add3A_342, %add3A_347, %add3A_352, %add3A_357, %add3A_362, %add3A_367, %add3A_372, %add3A_377 : vector<16xf32>, vector<16xf32>, vector<16xf32>, vector<16xf32>, vector<16xf32>, vector<16xf32>, vector<16xf32>, vector<16xf32>
    }
    %scan3A_116 = arith.constant 64 : i32
    %mul3A_117 = arith.constant 5.000000e-03 : f32
    %mul3A_118 = vector.broadcast %mul3A_117 : f32 to vector<16xf32>
    %mul3A_119 = arith.mulf %scan3A_115#0, %mul3A_118 : vector<16xf32>
    %swap3A = arith.constant 126 : i32
    %swap3A_120 = arith.index_cast %swap3A : i32 to index
    %swap3A_121 = arith.constant 0 : index
    %swap3A_122 = tpu.vector_load %arg15[%swap3A_120, %swap3A_121] {strides = array<i32>} : memref<128x128xf32, #tpu.memory_space<vmem>>, vector<1x16xf32>,
    %swap3A_123 = vector.shape_cast %swap3A_122 : vector<1x16xf32> to vector<16xf32>
    %swap3A_124 = vector.shape_cast %mul3A_119 : vector<16xf32> to vector<1x16xf32>
    tpu.vector_store %arg15[%swap3A_120, %swap3A_121], %swap3A_124 {strides = array<i32>} : memref<128x128xf32, #tpu.memory_space<vmem>>, vector<1x16xf32>,
    %mul3A_125 = arith.constant 5.000000e-03 : f32
    %mul3A_126 = vector.broadcast %mul3A_125 : f32 to vector<16xf32>
    %mul3A_127 = arith.mulf %scan3A_115#1, %mul3A_126 : vector<16xf32>
    %swap3A_128 = arith.constant 126 : i32
    %swap3A_129 = arith.index_cast %swap3A_128 : i32 to index
    %swap3A_130 = arith.constant 16 : index
    %swap3A_131 = tpu.vector_load %arg15[%swap3A_129, %swap3A_130] {strides = array<i32>} : memref<128x128xf32, #tpu.memory_space<vmem>>, vector<1x16xf32>,
    %swap3A_132 = vector.shape_cast %swap3A_131 : vector<1x16xf32> to vector<16xf32>
    %swap3A_133 = vector.shape_cast %mul3A_127 : vector<16xf32> to vector<1x16xf32>
    tpu.vector_store %arg15[%swap3A_129, %swap3A_130], %swap3A_133 {strides = array<i32>} : memref<128x128xf32, #tpu.memory_space<vmem>>, vector<1x16xf32>,
    %mul3A_134 = arith.constant 5.000000e-03 : f32
    %mul3A_135 = vector.broadcast %mul3A_134 : f32 to vector<16xf32>
    %mul3A_136 = arith.mulf %scan3A_115#2, %mul3A_135 : vector<16xf32>
    %swap3A_137 = arith.constant 126 : i32
    %swap3A_138 = arith.index_cast %swap3A_137 : i32 to index
    %swap3A_139 = arith.constant 32 : index
    %swap3A_140 = tpu.vector_load %arg15[%swap3A_138, %swap3A_139] {strides = array<i32>} : memref<128x128xf32, #tpu.memory_space<vmem>>, vector<1x16xf32>,
    %swap3A_141 = vector.shape_cast %swap3A_140 : vector<1x16xf32> to vector<16xf32>
    %swap3A_142 = vector.shape_cast %mul3A_136 : vector<16xf32> to vector<1x16xf32>
    tpu.vector_store %arg15[%swap3A_138, %swap3A_139], %swap3A_142 {strides = array<i32>} : memref<128x128xf32, #tpu.memory_space<vmem>>, vector<1x16xf32>,
    %mul3A_143 = arith.constant 5.000000e-03 : f32
    %mul3A_144 = vector.broadcast %mul3A_143 : f32 to vector<16xf32>
    %mul3A_145 = arith.mulf %scan3A_115#3, %mul3A_144 : vector<16xf32>
    %swap3A_146 = arith.constant 126 : i32
    %swap3A_147 = arith.index_cast %swap3A_146 : i32 to index
    %swap3A_148 = arith.constant 48 : index
    %swap3A_149 = tpu.vector_load %arg15[%swap3A_147, %swap3A_148] {strides = array<i32>} : memref<128x128xf32, #tpu.memory_space<vmem>>, vector<1x16xf32>,
    %swap3A_150 = vector.shape_cast %swap3A_149 : vector<1x16xf32> to vector<16xf32>
    %swap3A_151 = vector.shape_cast %mul3A_145 : vector<16xf32> to vector<1x16xf32>
    tpu.vector_store %arg15[%swap3A_147, %swap3A_148], %swap3A_151 {strides = array<i32>} : memref<128x128xf32, #tpu.memory_space<vmem>>, vector<1x16xf32>,
    %mul3A_152 = arith.constant 5.000000e-03 : f32
    %mul3A_153 = vector.broadcast %mul3A_152 : f32 to vector<16xf32>
    %mul3A_154 = arith.mulf %scan3A_115#4, %mul3A_153 : vector<16xf32>
    %swap3A_155 = arith.constant 126 : i32
    %swap3A_156 = arith.index_cast %swap3A_155 : i32 to index
    %swap3A_157 = arith.constant 64 : index
    %swap3A_158 = tpu.vector_load %arg15[%swap3A_156, %swap3A_157] {strides = array<i32>} : memref<128x128xf32, #tpu.memory_space<vmem>>, vector<1x16xf32>,
    %swap3A_159 = vector.shape_cast %swap3A_158 : vector<1x16xf32> to vector<16xf32>
    %swap3A_160 = vector.shape_cast %mul3A_154 : vector<16xf32> to vector<1x16xf32>
    tpu.vector_store %arg15[%swap3A_156, %swap3A_157], %swap3A_160 {strides = array<i32>} : memref<128x128xf32, #tpu.memory_space<vmem>>, vector<1x16xf32>,
    %mul3A_161 = arith.constant 5.000000e-03 : f32
    %mul3A_162 = vector.broadcast %mul3A_161 : f32 to vector<16xf32>
    %mul3A_163 = arith.mulf %scan3A_115#5, %mul3A_162 : vector<16xf32>
    %swap3A_164 = arith.constant 126 : i32
    %swap3A_165 = arith.index_cast %swap3A_164 : i32 to index
    %swap3A_166 = arith.constant 80 : index
    %swap3A_167 = tpu.vector_load %arg15[%swap3A_165, %swap3A_166] {strides = array<i32>} : memref<128x128xf32, #tpu.memory_space<vmem>>, vector<1x16xf32>,
    %swap3A_168 = vector.shape_cast %swap3A_167 : vector<1x16xf32> to vector<16xf32>
    %swap3A_169 = vector.shape_cast %mul3A_163 : vector<16xf32> to vector<1x16xf32>
    tpu.vector_store %arg15[%swap3A_165, %swap3A_166], %swap3A_169 {strides = array<i32>} : memref<128x128xf32, #tpu.memory_space<vmem>>, vector<1x16xf32>,
    %mul3A_170 = arith.constant 5.000000e-03 : f32
    %mul3A_171 = vector.broadcast %mul3A_170 : f32 to vector<16xf32>
    %mul3A_172 = arith.mulf %scan3A_115#6, %mul3A_171 : vector<16xf32>
    %swap3A_173 = arith.constant 126 : i32
    %swap3A_174 = arith.index_cast %swap3A_173 : i32 to index
    %swap3A_175 = arith.constant 96 : index
    %swap3A_176 = tpu.vector_load %arg15[%swap3A_174, %swap3A_175] {strides = array<i32>} : memref<128x128xf32, #tpu.memory_space<vmem>>, vector<1x16xf32>,
    %swap3A_177 = vector.shape_cast %swap3A_176 : vector<1x16xf32> to vector<16xf32>
    %swap3A_178 = vector.shape_cast %mul3A_172 : vector<16xf32> to vector<1x16xf32>
    tpu.vector_store %arg15[%swap3A_174, %swap3A_175], %swap3A_178 {strides = array<i32>} : memref<128x128xf32, #tpu.memory_space<vmem>>, vector<1x16xf32>,
    %mul3A_179 = arith.constant 5.000000e-03 : f32
    %mul3A_180 = vector.broadcast %mul3A_179 : f32 to vector<16xf32>
    %mul3A_181 = arith.mulf %scan3A_115#7, %mul3A_180 : vector<16xf32>
    %swap3A_182 = arith.constant 126 : i32
    %swap3A_183 = arith.index_cast %swap3A_182 : i32 to index
    %swap3A_184 = arith.constant 112 : index
    %swap3A_185 = tpu.vector_load %arg15[%swap3A_183, %swap3A_184] {strides = array<i32>} : memref<128x128xf32, #tpu.memory_space<vmem>>, vector<1x16xf32>,
    %swap3A_186 = vector.shape_cast %swap3A_185 : vector<1x16xf32> to vector<16xf32>
    %swap3A_187 = vector.shape_cast %mul3A_181 : vector<16xf32> to vector<1x16xf32>
    tpu.vector_store %arg15[%swap3A_183, %swap3A_184], %swap3A_187 {strides = array<i32>} : memref<128x128xf32, #tpu.memory_space<vmem>>, vector<1x16xf32>,
    %dma_wait3A_188 = arith.constant 0 : i32
    %dma_wait3A_189 = arith.constant 0 : i32
    %dma_wait3A_190 = tpu.memref_slice %arg2[%dma_wait3A_188, %dma_wait3A_189] : memref<100000x128xf32, #tpu.memory_space<hbm>> -> memref<72x128xf32, #tpu.memory_space<hbm>>
    %dma_wait3A_191 = arith.constant 0 : i32
    %dma_wait3A_192 = arith.constant 0 : i32
    %dma_wait3A_193 = tpu.memref_slice %arg2[%dma_wait3A_191, %dma_wait3A_192] : memref<100000x128xf32, #tpu.memory_space<hbm>> -> memref<72x128xf32, #tpu.memory_space<hbm>>
    tpu.wait_dma2 semaphore(%arg17 : memref<!tpu.dma_semaphore, #tpu.memory_space<semaphore_mem>>) src(%dma_wait3A_193 : memref<72x128xf32, #tpu.memory_space<hbm>>) dst(%arg9 : memref<72x128xf32, #tpu.memory_space<vmem>>)
    %dma_wait3A_194 = arith.constant 0 : i32
    %dma_wait3A_195 = arith.constant 0 : i32
    %dma_wait3A_196 = tpu.memref_slice %arg2[%dma_wait3A_194, %dma_wait3A_195] : memref<100000x128xf32, #tpu.memory_space<hbm>> -> memref<64x128xf32, #tpu.memory_space<hbm>>
    %dma_wait3A_197 = arith.constant 0 : i32
    %dma_wait3A_198 = arith.constant 0 : i32
    %dma_wait3A_199 = tpu.memref_slice %arg2[%dma_wait3A_197, %dma_wait3A_198] : memref<100000x128xf32, #tpu.memory_space<hbm>> -> memref<64x128xf32, #tpu.memory_space<hbm>>
    tpu.wait_dma2 semaphore(%arg17 : memref<!tpu.dma_semaphore, #tpu.memory_space<semaphore_mem>>) src(%dma_wait3A_199 : memref<64x128xf32, #tpu.memory_space<hbm>>) dst(%arg10 : memref<64x128xf32, #tpu.memory_space<vmem>>)
    %dma_wait3A_200 = arith.constant 0 : i32
    %dma_wait3A_201 = arith.constant 0 : i32
    %dma_wait3A_202 = tpu.memref_slice %arg2[%dma_wait3A_200, %dma_wait3A_201] : memref<100000x128xf32, #tpu.memory_space<hbm>> -> memref<64x128xf32, #tpu.memory_space<hbm>>
    %dma_wait3A_203 = arith.constant 0 : i32
    %dma_wait3A_204 = arith.constant 0 : i32
    %dma_wait3A_205 = tpu.memref_slice %arg2[%dma_wait3A_203, %dma_wait3A_204] : memref<100000x128xf32, #tpu.memory_space<hbm>> -> memref<64x128xf32, #tpu.memory_space<hbm>>
    tpu.wait_dma2 semaphore(%arg17 : memref<!tpu.dma_semaphore, #tpu.memory_space<semaphore_mem>>) src(%dma_wait3A_205 : memref<64x128xf32, #tpu.memory_space<hbm>>) dst(%arg11 : memref<64x128xf32, #tpu.memory_space<vmem>>)
    %broadcast_in_dim3A_206 = arith.constant 0.000000e+00 : f32
    %broadcast_in_dim3A_207 = vector.broadcast %broadcast_in_dim3A_206 : f32 to vector<16xf32>
    %broadcast_in_dim3A_208 = arith.constant 0.000000e+00 : f32
    %broadcast_in_dim3A_209 = vector.broadcast %broadcast_in_dim3A_208 : f32 to vector<16xf32>
    %broadcast_in_dim3A_210 = arith.constant 0.000000e+00 : f32
    %broadcast_in_dim3A_211 = vector.broadcast %broadcast_in_dim3A_210 : f32 to vector<16xf32>
    %broadcast_in_dim3A_212 = arith.constant 0.000000e+00 : f32
    %broadcast_in_dim3A_213 = vector.broadcast %broadcast_in_dim3A_212 : f32 to vector<16xf32>
    %broadcast_in_dim3A_214 = arith.constant 0.000000e+00 : f32
    %broadcast_in_dim3A_215 = vector.broadcast %broadcast_in_dim3A_214 : f32 to vector<16xf32>
    %broadcast_in_dim3A_216 = arith.constant 0.000000e+00 : f32
    %broadcast_in_dim3A_217 = vector.broadcast %broadcast_in_dim3A_216 : f32 to vector<16xf32>
    %broadcast_in_dim3A_218 = arith.constant 0.000000e+00 : f32
    %broadcast_in_dim3A_219 = vector.broadcast %broadcast_in_dim3A_218 : f32 to vector<16xf32>
    %broadcast_in_dim3A_220 = arith.constant 0.000000e+00 : f32
    %broadcast_in_dim3A_221 = vector.broadcast %broadcast_in_dim3A_220 : f32 to vector<16xf32>
    %scan3A_222 = arith.constant 0 : i32
    %scan3A_223 = arith.constant 72 : i32
    %scan3A_224 = arith.addi %scan3A_222, %scan3A_223 : i32
    %scan3A_225 = arith.constant 1 : i32
    %scan3A_226:8 = scf.for %scan3A_330 = %scan3A_222 to %scan3A_224 step %scan3A_225 iter_args(%scan3A_331 = %broadcast_in_dim3A_207, %scan3A_332 = %broadcast_in_dim3A_209, %scan3A_333 = %broadcast_in_dim3A_211, %scan3A_334 = %broadcast_in_dim3A_213, %scan3A_335 = %broadcast_in_dim3A_215, %scan3A_336 = %broadcast_in_dim3A_217, %scan3A_337 = %broadcast_in_dim3A_219, %scan3A_338 = %broadcast_in_dim3A_221) -> (vector<16xf32>, vector<16xf32>, vector<16xf32>, vector<16xf32>, vector<16xf32>, vector<16xf32>, vector<16xf32>, vector<16xf32>)  : i32 {
      %get3A = arith.index_cast %scan3A_330 : i32 to index
      %get3A_339 = arith.constant 0 : index
      %get3A_340 = tpu.vector_load %arg9[%get3A, %get3A_339] {strides = array<i32>} : memref<72x128xf32, #tpu.memory_space<vmem>>, vector<1x16xf32>,
      %get3A_341 = vector.shape_cast %get3A_340 : vector<1x16xf32> to vector<16xf32>
      %add3A_342 = arith.addf %scan3A_331, %get3A_341 : vector<16xf32>
      %get3A_343 = arith.index_cast %scan3A_330 : i32 to index
      %get3A_344 = arith.constant 16 : index
      %get3A_345 = tpu.vector_load %arg9[%get3A_343, %get3A_344] {strides = array<i32>} : memref<72x128xf32, #tpu.memory_space<vmem>>, vector<1x16xf32>,
      %get3A_346 = vector.shape_cast %get3A_345 : vector<1x16xf32> to vector<16xf32>
      %add3A_347 = arith.addf %scan3A_332, %get3A_346 : vector<16xf32>
      %get3A_348 = arith.index_cast %scan3A_330 : i32 to index
      %get3A_349 = arith.constant 32 : index
      %get3A_350 = tpu.vector_load %arg9[%get3A_348, %get3A_349] {strides = array<i32>} : memref<72x128xf32, #tpu.memory_space<vmem>>, vector<1x16xf32>,
      %get3A_351 = vector.shape_cast %get3A_350 : vector<1x16xf32> to vector<16xf32>
      %add3A_352 = arith.addf %scan3A_333, %get3A_351 : vector<16xf32>
      %get3A_353 = arith.index_cast %scan3A_330 : i32 to index
      %get3A_354 = arith.constant 48 : index
      %get3A_355 = tpu.vector_load %arg9[%get3A_353, %get3A_354] {strides = array<i32>} : memref<72x128xf32, #tpu.memory_space<vmem>>, vector<1x16xf32>,
      %get3A_356 = vector.shape_cast %get3A_355 : vector<1x16xf32> to vector<16xf32>
      %add3A_357 = arith.addf %scan3A_334, %get3A_356 : vector<16xf32>
      %get3A_358 = arith.index_cast %scan3A_330 : i32 to index
      %get3A_359 = arith.constant 64 : index
      %get3A_360 = tpu.vector_load %arg9[%get3A_358, %get3A_359] {strides = array<i32>} : memref<72x128xf32, #tpu.memory_space<vmem>>, vector<1x16xf32>,
      %get3A_361 = vector.shape_cast %get3A_360 : vector<1x16xf32> to vector<16xf32>
      %add3A_362 = arith.addf %scan3A_335, %get3A_361 : vector<16xf32>
      %get3A_363 = arith.index_cast %scan3A_330 : i32 to index
      %get3A_364 = arith.constant 80 : index
      %get3A_365 = tpu.vector_load %arg9[%get3A_363, %get3A_364] {strides = array<i32>} : memref<72x128xf32, #tpu.memory_space<vmem>>, vector<1x16xf32>,
      %get3A_366 = vector.shape_cast %get3A_365 : vector<1x16xf32> to vector<16xf32>
      %add3A_367 = arith.addf %scan3A_336, %get3A_366 : vector<16xf32>
      %get3A_368 = arith.index_cast %scan3A_330 : i32 to index
      %get3A_369 = arith.constant 96 : index
      %get3A_370 = tpu.vector_load %arg9[%get3A_368, %get3A_369] {strides = array<i32>} : memref<72x128xf32, #tpu.memory_space<vmem>>, vector<1x16xf32>,
      %get3A_371 = vector.shape_cast %get3A_370 : vector<1x16xf32> to vector<16xf32>
      %add3A_372 = arith.addf %scan3A_337, %get3A_371 : vector<16xf32>
      %get3A_373 = arith.index_cast %scan3A_330 : i32 to index
      %get3A_374 = arith.constant 112 : index
      %get3A_375 = tpu.vector_load %arg9[%get3A_373, %get3A_374] {strides = array<i32>} : memref<72x128xf32, #tpu.memory_space<vmem>>, vector<1x16xf32>,
      %get3A_376 = vector.shape_cast %get3A_375 : vector<1x16xf32> to vector<16xf32>
      %add3A_377 = arith.addf %scan3A_338, %get3A_376 : vector<16xf32>
      scf.yield %add3A_342, %add3A_347, %add3A_352, %add3A_357, %add3A_362, %add3A_367, %add3A_372, %add3A_377 : vector<16xf32>, vector<16xf32>, vector<16xf32>, vector<16xf32>, vector<16xf32>, vector<16xf32>, vector<16xf32>, vector<16xf32>
    }
    %scan3A_227 = arith.constant 72 : i32
    %scan3A_228 = arith.constant 0 : i32
    %scan3A_229 = arith.constant 64 : i32
    %scan3A_230 = arith.addi %scan3A_228, %scan3A_229 : i32
    %scan3A_231 = arith.constant 1 : i32
    %scan3A_232:8 = scf.for %scan3A_330 = %scan3A_228 to %scan3A_230 step %scan3A_231 iter_args(%scan3A_331 = %scan3A_226#0, %scan3A_332 = %scan3A_226#1, %scan3A_333 = %scan3A_226#2, %scan3A_334 = %scan3A_226#3, %scan3A_335 = %scan3A_226#4, %scan3A_336 = %scan3A_226#5, %scan3A_337 = %scan3A_226#6, %scan3A_338 = %scan3A_226#7) -> (vector<16xf32>, vector<16xf32>, vector<16xf32>, vector<16xf32>, vector<16xf32>, vector<16xf32>, vector<16xf32>, vector<16xf32>)  : i32 {
      %get3A = arith.index_cast %scan3A_330 : i32 to index
      %get3A_339 = arith.constant 0 : index
      %get3A_340 = tpu.vector_load %arg10[%get3A, %get3A_339] {strides = array<i32>} : memref<64x128xf32, #tpu.memory_space<vmem>>, vector<1x16xf32>,
      %get3A_341 = vector.shape_cast %get3A_340 : vector<1x16xf32> to vector<16xf32>
      %add3A_342 = arith.addf %scan3A_331, %get3A_341 : vector<16xf32>
      %get3A_343 = arith.index_cast %scan3A_330 : i32 to index
      %get3A_344 = arith.constant 16 : index
      %get3A_345 = tpu.vector_load %arg10[%get3A_343, %get3A_344] {strides = array<i32>} : memref<64x128xf32, #tpu.memory_space<vmem>>, vector<1x16xf32>,
      %get3A_346 = vector.shape_cast %get3A_345 : vector<1x16xf32> to vector<16xf32>
      %add3A_347 = arith.addf %scan3A_332, %get3A_346 : vector<16xf32>
      %get3A_348 = arith.index_cast %scan3A_330 : i32 to index
      %get3A_349 = arith.constant 32 : index
      %get3A_350 = tpu.vector_load %arg10[%get3A_348, %get3A_349] {strides = array<i32>} : memref<64x128xf32, #tpu.memory_space<vmem>>, vector<1x16xf32>,
      %get3A_351 = vector.shape_cast %get3A_350 : vector<1x16xf32> to vector<16xf32>
      %add3A_352 = arith.addf %scan3A_333, %get3A_351 : vector<16xf32>
      %get3A_353 = arith.index_cast %scan3A_330 : i32 to index
      %get3A_354 = arith.constant 48 : index
      %get3A_355 = tpu.vector_load %arg10[%get3A_353, %get3A_354] {strides = array<i32>} : memref<64x128xf32, #tpu.memory_space<vmem>>, vector<1x16xf32>,
      %get3A_356 = vector.shape_cast %get3A_355 : vector<1x16xf32> to vector<16xf32>
      %add3A_357 = arith.addf %scan3A_334, %get3A_356 : vector<16xf32>
      %get3A_358 = arith.index_cast %scan3A_330 : i32 to index
      %get3A_359 = arith.constant 64 : index
      %get3A_360 = tpu.vector_load %arg10[%get3A_358, %get3A_359] {strides = array<i32>} : memref<64x128xf32, #tpu.memory_space<vmem>>, vector<1x16xf32>,
      %get3A_361 = vector.shape_cast %get3A_360 : vector<1x16xf32> to vector<16xf32>
      %add3A_362 = arith.addf %scan3A_335, %get3A_361 : vector<16xf32>
      %get3A_363 = arith.index_cast %scan3A_330 : i32 to index
      %get3A_364 = arith.constant 80 : index
      %get3A_365 = tpu.vector_load %arg10[%get3A_363, %get3A_364] {strides = array<i32>} : memref<64x128xf32, #tpu.memory_space<vmem>>, vector<1x16xf32>,
      %get3A_366 = vector.shape_cast %get3A_365 : vector<1x16xf32> to vector<16xf32>
      %add3A_367 = arith.addf %scan3A_336, %get3A_366 : vector<16xf32>
      %get3A_368 = arith.index_cast %scan3A_330 : i32 to index
      %get3A_369 = arith.constant 96 : index
      %get3A_370 = tpu.vector_load %arg10[%get3A_368, %get3A_369] {strides = array<i32>} : memref<64x128xf32, #tpu.memory_space<vmem>>, vector<1x16xf32>,
      %get3A_371 = vector.shape_cast %get3A_370 : vector<1x16xf32> to vector<16xf32>
      %add3A_372 = arith.addf %scan3A_337, %get3A_371 : vector<16xf32>
      %get3A_373 = arith.index_cast %scan3A_330 : i32 to index
      %get3A_374 = arith.constant 112 : index
      %get3A_375 = tpu.vector_load %arg10[%get3A_373, %get3A_374] {strides = array<i32>} : memref<64x128xf32, #tpu.memory_space<vmem>>, vector<1x16xf32>,
      %get3A_376 = vector.shape_cast %get3A_375 : vector<1x16xf32> to vector<16xf32>
      %add3A_377 = arith.addf %scan3A_338, %get3A_376 : vector<16xf32>
      scf.yield %add3A_342, %add3A_347, %add3A_352, %add3A_357, %add3A_362, %add3A_367, %add3A_372, %add3A_377 : vector<16xf32>, vector<16xf32>, vector<16xf32>, vector<16xf32>, vector<16xf32>, vector<16xf32>, vector<16xf32>, vector<16xf32>
    }
    %scan3A_233 = arith.constant 64 : i32
    %scan3A_234 = arith.constant 0 : i32
    %scan3A_235 = arith.constant 64 : i32
    %scan3A_236 = arith.addi %scan3A_234, %scan3A_235 : i32
    %scan3A_237 = arith.constant 1 : i32
    %scan3A_238:8 = scf.for %scan3A_330 = %scan3A_234 to %scan3A_236 step %scan3A_237 iter_args(%scan3A_331 = %scan3A_232#0, %scan3A_332 = %scan3A_232#1, %scan3A_333 = %scan3A_232#2, %scan3A_334 = %scan3A_232#3, %scan3A_335 = %scan3A_232#4, %scan3A_336 = %scan3A_232#5, %scan3A_337 = %scan3A_232#6, %scan3A_338 = %scan3A_232#7) -> (vector<16xf32>, vector<16xf32>, vector<16xf32>, vector<16xf32>, vector<16xf32>, vector<16xf32>, vector<16xf32>, vector<16xf32>)  : i32 {
      %get3A = arith.index_cast %scan3A_330 : i32 to index
      %get3A_339 = arith.constant 0 : index
      %get3A_340 = tpu.vector_load %arg11[%get3A, %get3A_339] {strides = array<i32>} : memref<64x128xf32, #tpu.memory_space<vmem>>, vector<1x16xf32>,
      %get3A_341 = vector.shape_cast %get3A_340 : vector<1x16xf32> to vector<16xf32>
      %add3A_342 = arith.addf %scan3A_331, %get3A_341 : vector<16xf32>
      %get3A_343 = arith.index_cast %scan3A_330 : i32 to index
      %get3A_344 = arith.constant 16 : index
      %get3A_345 = tpu.vector_load %arg11[%get3A_343, %get3A_344] {strides = array<i32>} : memref<64x128xf32, #tpu.memory_space<vmem>>, vector<1x16xf32>,
      %get3A_346 = vector.shape_cast %get3A_345 : vector<1x16xf32> to vector<16xf32>
      %add3A_347 = arith.addf %scan3A_332, %get3A_346 : vector<16xf32>
      %get3A_348 = arith.index_cast %scan3A_330 : i32 to index
      %get3A_349 = arith.constant 32 : index
      %get3A_350 = tpu.vector_load %arg11[%get3A_348, %get3A_349] {strides = array<i32>} : memref<64x128xf32, #tpu.memory_space<vmem>>, vector<1x16xf32>,
      %get3A_351 = vector.shape_cast %get3A_350 : vector<1x16xf32> to vector<16xf32>
      %add3A_352 = arith.addf %scan3A_333, %get3A_351 : vector<16xf32>
      %get3A_353 = arith.index_cast %scan3A_330 : i32 to index
      %get3A_354 = arith.constant 48 : index
      %get3A_355 = tpu.vector_load %arg11[%get3A_353, %get3A_354] {strides = array<i32>} : memref<64x128xf32, #tpu.memory_space<vmem>>, vector<1x16xf32>,
      %get3A_356 = vector.shape_cast %get3A_355 : vector<1x16xf32> to vector<16xf32>
      %add3A_357 = arith.addf %scan3A_334, %get3A_356 : vector<16xf32>
      %get3A_358 = arith.index_cast %scan3A_330 : i32 to index
      %get3A_359 = arith.constant 64 : index
      %get3A_360 = tpu.vector_load %arg11[%get3A_358, %get3A_359] {strides = array<i32>} : memref<64x128xf32, #tpu.memory_space<vmem>>, vector<1x16xf32>,
      %get3A_361 = vector.shape_cast %get3A_360 : vector<1x16xf32> to vector<16xf32>
      %add3A_362 = arith.addf %scan3A_335, %get3A_361 : vector<16xf32>
      %get3A_363 = arith.index_cast %scan3A_330 : i32 to index
      %get3A_364 = arith.constant 80 : index
      %get3A_365 = tpu.vector_load %arg11[%get3A_363, %get3A_364] {strides = array<i32>} : memref<64x128xf32, #tpu.memory_space<vmem>>, vector<1x16xf32>,
      %get3A_366 = vector.shape_cast %get3A_365 : vector<1x16xf32> to vector<16xf32>
      %add3A_367 = arith.addf %scan3A_336, %get3A_366 : vector<16xf32>
      %get3A_368 = arith.index_cast %scan3A_330 : i32 to index
      %get3A_369 = arith.constant 96 : index
      %get3A_370 = tpu.vector_load %arg11[%get3A_368, %get3A_369] {strides = array<i32>} : memref<64x128xf32, #tpu.memory_space<vmem>>, vector<1x16xf32>,
      %get3A_371 = vector.shape_cast %get3A_370 : vector<1x16xf32> to vector<16xf32>
      %add3A_372 = arith.addf %scan3A_337, %get3A_371 : vector<16xf32>
      %get3A_373 = arith.index_cast %scan3A_330 : i32 to index
      %get3A_374 = arith.constant 112 : index
      %get3A_375 = tpu.vector_load %arg11[%get3A_373, %get3A_374] {strides = array<i32>} : memref<64x128xf32, #tpu.memory_space<vmem>>, vector<1x16xf32>,
      %get3A_376 = vector.shape_cast %get3A_375 : vector<1x16xf32> to vector<16xf32>
      %add3A_377 = arith.addf %scan3A_338, %get3A_376 : vector<16xf32>
      scf.yield %add3A_342, %add3A_347, %add3A_352, %add3A_357, %add3A_362, %add3A_367, %add3A_372, %add3A_377 : vector<16xf32>, vector<16xf32>, vector<16xf32>, vector<16xf32>, vector<16xf32>, vector<16xf32>, vector<16xf32>, vector<16xf32>
    }
    %scan3A_239 = arith.constant 64 : i32
    %mul3A_240 = arith.constant 5.000000e-03 : f32
    %mul3A_241 = vector.broadcast %mul3A_240 : f32 to vector<16xf32>
    %mul3A_242 = arith.mulf %scan3A_238#0, %mul3A_241 : vector<16xf32>
    %swap3A_243 = arith.constant 127 : i32
    %swap3A_244 = arith.index_cast %swap3A_243 : i32 to index
    %swap3A_245 = arith.constant 0 : index
    %swap3A_246 = tpu.vector_load %arg15[%swap3A_244, %swap3A_245] {strides = array<i32>} : memref<128x128xf32, #tpu.memory_space<vmem>>, vector<1x16xf32>,
    %swap3A_247 = vector.shape_cast %swap3A_246 : vector<1x16xf32> to vector<16xf32>
    %swap3A_248 = vector.shape_cast %mul3A_242 : vector<16xf32> to vector<1x16xf32>
    tpu.vector_store %arg15[%swap3A_244, %swap3A_245], %swap3A_248 {strides = array<i32>} : memref<128x128xf32, #tpu.memory_space<vmem>>, vector<1x16xf32>,
    %mul3A_249 = arith.constant 5.000000e-03 : f32
    %mul3A_250 = vector.broadcast %mul3A_249 : f32 to vector<16xf32>
    %mul3A_251 = arith.mulf %scan3A_238#1, %mul3A_250 : vector<16xf32>
    %swap3A_252 = arith.constant 127 : i32
    %swap3A_253 = arith.index_cast %swap3A_252 : i32 to index
    %swap3A_254 = arith.constant 16 : index
    %swap3A_255 = tpu.vector_load %arg15[%swap3A_253, %swap3A_254] {strides = array<i32>} : memref<128x128xf32, #tpu.memory_space<vmem>>, vector<1x16xf32>,
    %swap3A_256 = vector.shape_cast %swap3A_255 : vector<1x16xf32> to vector<16xf32>
    %swap3A_257 = vector.shape_cast %mul3A_251 : vector<16xf32> to vector<1x16xf32>
    tpu.vector_store %arg15[%swap3A_253, %swap3A_254], %swap3A_257 {strides = array<i32>} : memref<128x128xf32, #tpu.memory_space<vmem>>, vector<1x16xf32>,
    %mul3A_258 = arith.constant 5.000000e-03 : f32
    %mul3A_259 = vector.broadcast %mul3A_258 : f32 to vector<16xf32>
    %mul3A_260 = arith.mulf %scan3A_238#2, %mul3A_259 : vector<16xf32>
    %swap3A_261 = arith.constant 127 : i32
    %swap3A_262 = arith.index_cast %swap3A_261 : i32 to index
    %swap3A_263 = arith.constant 32 : index
    %swap3A_264 = tpu.vector_load %arg15[%swap3A_262, %swap3A_263] {strides = array<i32>} : memref<128x128xf32, #tpu.memory_space<vmem>>, vector<1x16xf32>,
    %swap3A_265 = vector.shape_cast %swap3A_264 : vector<1x16xf32> to vector<16xf32>
    %swap3A_266 = vector.shape_cast %mul3A_260 : vector<16xf32> to vector<1x16xf32>
    tpu.vector_store %arg15[%swap3A_262, %swap3A_263], %swap3A_266 {strides = array<i32>} : memref<128x128xf32, #tpu.memory_space<vmem>>, vector<1x16xf32>,
    %mul3A_267 = arith.constant 5.000000e-03 : f32
    %mul3A_268 = vector.broadcast %mul3A_267 : f32 to vector<16xf32>
    %mul3A_269 = arith.mulf %scan3A_238#3, %mul3A_268 : vector<16xf32>
    %swap3A_270 = arith.constant 127 : i32
    %swap3A_271 = arith.index_cast %swap3A_270 : i32 to index
    %swap3A_272 = arith.constant 48 : index
    %swap3A_273 = tpu.vector_load %arg15[%swap3A_271, %swap3A_272] {strides = array<i32>} : memref<128x128xf32, #tpu.memory_space<vmem>>, vector<1x16xf32>,
    %swap3A_274 = vector.shape_cast %swap3A_273 : vector<1x16xf32> to vector<16xf32>
    %swap3A_275 = vector.shape_cast %mul3A_269 : vector<16xf32> to vector<1x16xf32>
    tpu.vector_store %arg15[%swap3A_271, %swap3A_272], %swap3A_275 {strides = array<i32>} : memref<128x128xf32, #tpu.memory_space<vmem>>, vector<1x16xf32>,
    %mul3A_276 = arith.constant 5.000000e-03 : f32
    %mul3A_277 = vector.broadcast %mul3A_276 : f32 to vector<16xf32>
    %mul3A_278 = arith.mulf %scan3A_238#4, %mul3A_277 : vector<16xf32>
    %swap3A_279 = arith.constant 127 : i32
    %swap3A_280 = arith.index_cast %swap3A_279 : i32 to index
    %swap3A_281 = arith.constant 64 : index
    %swap3A_282 = tpu.vector_load %arg15[%swap3A_280, %swap3A_281] {strides = array<i32>} : memref<128x128xf32, #tpu.memory_space<vmem>>, vector<1x16xf32>,
    %swap3A_283 = vector.shape_cast %swap3A_282 : vector<1x16xf32> to vector<16xf32>
    %swap3A_284 = vector.shape_cast %mul3A_278 : vector<16xf32> to vector<1x16xf32>
    tpu.vector_store %arg15[%swap3A_280, %swap3A_281], %swap3A_284 {strides = array<i32>} : memref<128x128xf32, #tpu.memory_space<vmem>>, vector<1x16xf32>,
    %mul3A_285 = arith.constant 5.000000e-03 : f32
    %mul3A_286 = vector.broadcast %mul3A_285 : f32 to vector<16xf32>
    %mul3A_287 = arith.mulf %scan3A_238#5, %mul3A_286 : vector<16xf32>
    %swap3A_288 = arith.constant 127 : i32
    %swap3A_289 = arith.index_cast %swap3A_288 : i32 to index
    %swap3A_290 = arith.constant 80 : index
    %swap3A_291 = tpu.vector_load %arg15[%swap3A_289, %swap3A_290] {strides = array<i32>} : memref<128x128xf32, #tpu.memory_space<vmem>>, vector<1x16xf32>,
    %swap3A_292 = vector.shape_cast %swap3A_291 : vector<1x16xf32> to vector<16xf32>
    %swap3A_293 = vector.shape_cast %mul3A_287 : vector<16xf32> to vector<1x16xf32>
    tpu.vector_store %arg15[%swap3A_289, %swap3A_290], %swap3A_293 {strides = array<i32>} : memref<128x128xf32, #tpu.memory_space<vmem>>, vector<1x16xf32>,
    %mul3A_294 = arith.constant 5.000000e-03 : f32
    %mul3A_295 = vector.broadcast %mul3A_294 : f32 to vector<16xf32>
    %mul3A_296 = arith.mulf %scan3A_238#6, %mul3A_295 : vector<16xf32>
    %swap3A_297 = arith.constant 127 : i32
    %swap3A_298 = arith.index_cast %swap3A_297 : i32 to index
    %swap3A_299 = arith.constant 96 : index
    %swap3A_300 = tpu.vector_load %arg15[%swap3A_298, %swap3A_299] {strides = array<i32>} : memref<128x128xf32, #tpu.memory_space<vmem>>, vector<1x16xf32>,
    %swap3A_301 = vector.shape_cast %swap3A_300 : vector<1x16xf32> to vector<16xf32>
    %swap3A_302 = vector.shape_cast %mul3A_296 : vector<16xf32> to vector<1x16xf32>
    tpu.vector_store %arg15[%swap3A_298, %swap3A_299], %swap3A_302 {strides = array<i32>} : memref<128x128xf32, #tpu.memory_space<vmem>>, vector<1x16xf32>,
    %mul3A_303 = arith.constant 5.000000e-03 : f32
    %mul3A_304 = vector.broadcast %mul3A_303 : f32 to vector<16xf32>
    %mul3A_305 = arith.mulf %scan3A_238#7, %mul3A_304 : vector<16xf32>
    %swap3A_306 = arith.constant 127 : i32
    %swap3A_307 = arith.index_cast %swap3A_306 : i32 to index
    %swap3A_308 = arith.constant 112 : index
    %swap3A_309 = tpu.vector_load %arg15[%swap3A_307, %swap3A_308] {strides = array<i32>} : memref<128x128xf32, #tpu.memory_space<vmem>>, vector<1x16xf32>,
    %swap3A_310 = vector.shape_cast %swap3A_309 : vector<1x16xf32> to vector<16xf32>
    %swap3A_311 = vector.shape_cast %mul3A_305 : vector<16xf32> to vector<1x16xf32>
    tpu.vector_store %arg15[%swap3A_307, %swap3A_308], %swap3A_311 {strides = array<i32>} : memref<128x128xf32, #tpu.memory_space<vmem>>, vector<1x16xf32>,
    %dma_wait3A_312 = arith.constant 0 : i32
    %dma_wait3A_313 = arith.constant 0 : i32
    %dma_wait3A_314 = tpu.memref_slice %arg2[%dma_wait3A_312, %dma_wait3A_313] : memref<100000x128xf32, #tpu.memory_space<hbm>> -> memref<72x128xf32, #tpu.memory_space<hbm>>
    %dma_wait3A_315 = arith.constant 0 : i32
    %dma_wait3A_316 = arith.constant 0 : i32
    %dma_wait3A_317 = tpu.memref_slice %arg2[%dma_wait3A_315, %dma_wait3A_316] : memref<100000x128xf32, #tpu.memory_space<hbm>> -> memref<72x128xf32, #tpu.memory_space<hbm>>
    tpu.wait_dma2 semaphore(%arg18 : memref<!tpu.dma_semaphore, #tpu.memory_space<semaphore_mem>>) src(%dma_wait3A_317 : memref<72x128xf32, #tpu.memory_space<hbm>>) dst(%arg12 : memref<72x128xf32, #tpu.memory_space<vmem>>)
    %dma_wait3A_318 = arith.constant 0 : i32
    %dma_wait3A_319 = arith.constant 0 : i32
    %dma_wait3A_320 = tpu.memref_slice %arg2[%dma_wait3A_318, %dma_wait3A_319] : memref<100000x128xf32, #tpu.memory_space<hbm>> -> memref<64x128xf32, #tpu.memory_space<hbm>>
    %dma_wait3A_321 = arith.constant 0 : i32
    %dma_wait3A_322 = arith.constant 0 : i32
    %dma_wait3A_323 = tpu.memref_slice %arg2[%dma_wait3A_321, %dma_wait3A_322] : memref<100000x128xf32, #tpu.memory_space<hbm>> -> memref<64x128xf32, #tpu.memory_space<hbm>>
    tpu.wait_dma2 semaphore(%arg18 : memref<!tpu.dma_semaphore, #tpu.memory_space<semaphore_mem>>) src(%dma_wait3A_323 : memref<64x128xf32, #tpu.memory_space<hbm>>) dst(%arg13 : memref<64x128xf32, #tpu.memory_space<vmem>>)
    %dma_wait3A_324 = arith.constant 0 : i32
    %dma_wait3A_325 = arith.constant 0 : i32
    %dma_wait3A_326 = tpu.memref_slice %arg2[%dma_wait3A_324, %dma_wait3A_325] : memref<100000x128xf32, #tpu.memory_space<hbm>> -> memref<64x128xf32, #tpu.memory_space<hbm>>
    %dma_wait3A_327 = arith.constant 0 : i32
    %dma_wait3A_328 = arith.constant 0 : i32
    %dma_wait3A_329 = tpu.memref_slice %arg2[%dma_wait3A_327, %dma_wait3A_328] : memref<100000x128xf32, #tpu.memory_space<hbm>> -> memref<64x128xf32, #tpu.memory_space<hbm>>
    tpu.wait_dma2 semaphore(%arg18 : memref<!tpu.dma_semaphore, #tpu.memory_space<semaphore_mem>>) src(%dma_wait3A_329 : memref<64x128xf32, #tpu.memory_space<hbm>>) dst(%arg14 : memref<64x128xf32, #tpu.memory_space<vmem>>)
    "tpu.region"() ({
      %run_scoped3A = tpu.sem_alloc : memref<!tpu.dma_semaphore, #tpu.memory_space<semaphore_mem>>
      %dma_start3A_330 = arith.constant 0 : i32
      %dma_start3A_331 = tpu.memref_slice %arg4[%mul3A_2, %dma_start3A_330] : memref<4096x128xf32, #tpu.memory_space<hbm>> -> memref<128x128xf32, #tpu.memory_space<hbm>>
      %dma_start3A_332 = arith.constant 0 : i32
      %dma_start3A_333 = tpu.memref_slice %arg4[%mul3A_2, %dma_start3A_332] : memref<4096x128xf32, #tpu.memory_space<hbm>> -> memref<128x128xf32, #tpu.memory_space<hbm>>
      tpu.enqueue_dma source(%arg15 : memref<128x128xf32, #tpu.memory_space<vmem>>) target(%dma_start3A_333 : memref<128x128xf32, #tpu.memory_space<hbm>>) target_semaphore(%run_scoped3A : memref<!tpu.dma_semaphore, #tpu.memory_space<semaphore_mem>>)
      %dma_wait3A_334 = arith.constant 0 : i32
      %dma_wait3A_335 = tpu.memref_slice %arg4[%mul3A_2, %dma_wait3A_334] : memref<4096x128xf32, #tpu.memory_space<hbm>> -> memref<128x128xf32, #tpu.memory_space<hbm>>
      %dma_wait3A_336 = arith.constant 0 : i32
      %dma_wait3A_337 = tpu.memref_slice %arg4[%mul3A_2, %dma_wait3A_336] : memref<4096x128xf32, #tpu.memory_space<hbm>> -> memref<128x128xf32, #tpu.memory_space<hbm>>
      tpu.wait_dma2 semaphore(%run_scoped3A : memref<!tpu.dma_semaphore, #tpu.memory_space<semaphore_mem>>) src(%arg15 : memref<128x128xf32, #tpu.memory_space<vmem>>) dst(%dma_wait3A_337 : memref<128x128xf32, #tpu.memory_space<hbm>>)
      tpu.yield
    }) : () -> ()
    return
  }
}

module attributes {stable_mosaic.version = 14 : i64} {
  func.func @body(%arg0: i32, %arg1: memref<512x128xf32, #tpu.memory_space<vmem>>, %arg2: memref<128x512xf32, #tpu.memory_space<vmem>>, %arg3: memref<1x512xf32, #tpu.memory_space<vmem>>, %arg4: memref<512x2xf32, #tpu.memory_space<vmem>>, %arg5: memref<1x2xf32, #tpu.memory_space<vmem>>, %arg6: memref<512x2xf32, #tpu.memory_space<vmem>>) attributes {dimension_semantics = [#tpu.dimension_semantics<arbitrary>], iteration_bounds = array<i64: 8>, scalar_prefetch = 0 : i64, scratch_operands = 0 : i64, tpu.core_type = #tpu.core_type<tc>, window_params = [{transform_indices = @transform_0, window_bounds = array<i64: 512, 128>}, {pipeline_mode = #tpu.pipeline_mode<synchronous>, transform_indices = @transform_1, window_bounds = array<i64: 128, 512>}, {pipeline_mode = #tpu.pipeline_mode<synchronous>, transform_indices = @transform_2, window_bounds = array<i64: 1, 512>}, {pipeline_mode = #tpu.pipeline_mode<synchronous>, transform_indices = @transform_3, window_bounds = array<i64: 512, 2>}, {pipeline_mode = #tpu.pipeline_mode<synchronous>, transform_indices = @transform_4, window_bounds = array<i64: 1, 2>}, {transform_indices = @transform_5, window_bounds = array<i64: 512, 2>}]} {
    %get3A = arith.constant 0 : index
    %get3A_0 = arith.constant 0 : index
    %get3A_1 = vector.load %arg1[%get3A, %get3A_0] : memref<512x128xf32, #tpu.memory_space<vmem>>, vector<512x128xf32>
    %get3A_2 = arith.constant 0 : index
    %get3A_3 = arith.constant 0 : index
    %get3A_4 = vector.load %arg2[%get3A_2, %get3A_3] : memref<128x512xf32, #tpu.memory_space<vmem>>, vector<128x512xf32>
    %dot_general3A = arith.constant dense<0.000000e+00> : vector<512x512xf32>
    %dot_general3A_5 = tpu.matmul %get3A_1, %get3A_4, %dot_general3A {dimension_numbers = #tpu.dot_dimension_numbers<[1], [0], [0], [1], [0, 0, 1, 1], [], []>, transpose_lhs_hint = false} : vector<512x128xf32>, vector<128x512xf32>, vector<512x512xf32> -> vector<512x512xf32>
    %get3A_6 = arith.constant 0 : index
    %get3A_7 = arith.constant 0 : index
    %get3A_8 = vector.load %arg3[%get3A_6, %get3A_7] : memref<1x512xf32, #tpu.memory_space<vmem>>, vector<1x512xf32>
    %add3A = vector.broadcast %get3A_8 : vector<1x512xf32> to vector<512x512xf32>
    %add3A_9 = arith.addf %dot_general3A_5, %add3A : vector<512x512xf32>
    %max3A = arith.constant 0.000000e+00 : f32
    %max3A_10 = vector.broadcast %max3A : f32 to vector<512x512xf32>
    %max3A_11 = arith.maximumf %add3A_9, %max3A_10 : vector<512x512xf32>
    %get3A_12 = arith.constant 0 : index
    %get3A_13 = arith.constant 0 : index
    %get3A_14 = vector.load %arg4[%get3A_12, %get3A_13] : memref<512x2xf32, #tpu.memory_space<vmem>>, vector<512x2xf32>
    %dot_general3A_15 = arith.constant dense<0.000000e+00> : vector<512x2xf32>
    %dot_general3A_16 = tpu.matmul %max3A_11, %get3A_14, %dot_general3A_15 {dimension_numbers = #tpu.dot_dimension_numbers<[1], [0], [0], [1], [0, 0, 1, 1], [], []>, transpose_lhs_hint = false} : vector<512x512xf32>, vector<512x2xf32>, vector<512x2xf32> -> vector<512x2xf32>
    %get3A_17 = arith.constant 0 : index
    %get3A_18 = arith.constant 0 : index
    %get3A_19 = vector.load %arg5[%get3A_17, %get3A_18] : memref<1x2xf32, #tpu.memory_space<vmem>>, vector<1x2xf32>
    %add3A_20 = vector.broadcast %get3A_19 : vector<1x2xf32> to vector<512x2xf32>
    %add3A_21 = arith.addf %dot_general3A_16, %add3A_20 : vector<512x2xf32>
    %reduce_max3A = arith.constant dense<0xFF800000> : vector<512xf32>
    %reduce_max3A_22 = vector.multi_reduction <maximumf>, %add3A_21, %reduce_max3A [1] : vector<512x2xf32> to vector<512xf32>
    %broadcast_in_dim3A = vector.shape_cast %reduce_max3A_22 : vector<512xf32> to vector<512x1xf32>
    %sub3A = vector.broadcast %broadcast_in_dim3A : vector<512x1xf32> to vector<512x2xf32>
    %sub3A_23 = arith.subf %add3A_21, %sub3A : vector<512x2xf32>
    %exp3A = math.exp %sub3A_23 : vector<512x2xf32>
    %reduce_sum3A = arith.constant dense<0.000000e+00> : vector<512xf32>
    %reduce_sum3A_24 = vector.multi_reduction <add>, %exp3A, %reduce_sum3A [1] : vector<512x2xf32> to vector<512xf32>
    %broadcast_in_dim3A_25 = vector.shape_cast %reduce_sum3A_24 : vector<512xf32> to vector<512x1xf32>
    %log3A = math.log %broadcast_in_dim3A_25 : vector<512x1xf32>
    %add3A_26 = arith.addf %broadcast_in_dim3A, %log3A : vector<512x1xf32>
    %sub3A_27 = vector.broadcast %add3A_26 : vector<512x1xf32> to vector<512x2xf32>
    %sub3A_28 = arith.subf %add3A_21, %sub3A_27 : vector<512x2xf32>
    %swap3A = arith.constant 0 : index
    %swap3A_29 = arith.constant 0 : index
    %swap3A_30 = vector.load %arg6[%swap3A, %swap3A_29] : memref<512x2xf32, #tpu.memory_space<vmem>>, vector<512x2xf32>
    tpu.vector_store %arg6[%swap3A, %swap3A_29], %sub3A_28 {strides = array<i32>} : memref<512x2xf32, #tpu.memory_space<vmem>>, vector<512x2xf32>,
    return
  }
  func.func @transform_0(%arg0: i32) -> (i32, i32) {
    %c0_i32 = arith.constant 0 : i32
    %c0_i32_0 = arith.constant 0 : i32
    return %arg0, %c0_i32 : i32, i32
  }
  func.func @transform_1(%arg0: i32) -> (i32, i32) {
    %c0_i32 = arith.constant 0 : i32
    %c0_i32_0 = arith.constant 0 : i32
    %c0_i32_1 = arith.constant 0 : i32
    return %c0_i32, %c0_i32_0 : i32, i32
  }
  func.func @transform_2(%arg0: i32) -> (i32, i32) {
    %c0_i32 = arith.constant 0 : i32
    %c0_i32_0 = arith.constant 0 : i32
    %c0_i32_1 = arith.constant 0 : i32
    return %c0_i32, %c0_i32_0 : i32, i32
  }
  func.func @transform_3(%arg0: i32) -> (i32, i32) {
    %c0_i32 = arith.constant 0 : i32
    %c0_i32_0 = arith.constant 0 : i32
    %c0_i32_1 = arith.constant 0 : i32
    return %c0_i32, %c0_i32_0 : i32, i32
  }
  func.func @transform_4(%arg0: i32) -> (i32, i32) {
    %c0_i32 = arith.constant 0 : i32
    %c0_i32_0 = arith.constant 0 : i32
    %c0_i32_1 = arith.constant 0 : i32
    return %c0_i32, %c0_i32_0 : i32, i32
  }
  func.func @transform_5(%arg0: i32) -> (i32, i32) {
    %c0_i32 = arith.constant 0 : i32
    %c0_i32_0 = arith.constant 0 : i32
    return %arg0, %c0_i32 : i32, i32
  }
}

</mosaic_0001>

<sc_bundles>
// kernel: kernel.4.cloned.1.call-start
scs
__scs_entry_jumppad:
0x0: {  	(pc) =	sbr.rel $0x88, $3  }
0x1: {  	(tag) =	ssettag $0x0;
	lr =	simm.s32 $0x1  }
0x2: {  	[smem:$0x3F9B] =	sst lr;
	_ =	strace $0xD0000000  }
0x3: {  	_ = 	snop  }
0x4: {  	_ = 	snop  }
0x5: {  	_ = 	snop  }
0x6: {  	_ = 	snop  }
0x7: {  	_ = 	snop  }
__scs_overlays_trampoline_lowered:
0x8: {  	[smem:$0x3FAA] =	sst s0  }
0x9: {  	[smem:$0x3FAB] =	sst s1  }
0xa: {  	[smem:$0x3FAC] =	sst s2  }
0xb: {  	[smem:$0x3FAD] =	sst s3  }
0xc: {  	[smem:$0x3FAE] =	sst s4  }
0xd: {  	[smem:$0x3FAF] =	sst s5  }
0xe: {  	[smem:$0x3FB0] =	sst s6  }
0xf: {  	[smem:$0x3FB1] =	sst s7  }
0x10: {  	[smem:$0x3FB2] =	sst s8  }
0x11: {  	[smem:$0x3FB3] =	sst s9;
	s0 =	simm.s32 @!p0 $0x0  }
0x12: {  	s1 =	sld [smem:$0x3F99];
	s0 =	simm.s32 @p0 $0x1  }
0x13: {  	[smem:$0x3FB4] =	sst s0;
	s0 =	simm.s32 @!p1 $0x0  }
0x14: {  	s2 =	sld [smem:$0x3F98];
	s0 =	simm.s32 @p1 $0x1  }
0x15: {  	[smem:$0x3FB5] =	sst s0;
	s0 =	simm.s32 @!p2 $0x0  }
0x16: {  	s3 =	sld [smem:$0x3FDB];
	s0 =	simm.s32 @p2 $0x1  }
0x17: {  	s4 =	simm.s32 $0x1BF5;
	[smem:$0x3FB7] =	sst s0  }
0x18: {  	s0 =	sld [smem:$0x3F9A];
	_ =	swait.ge [sflag:s4], $0x0  }
0x19: {  	s7 =	sld [smem:$0x3F9B]  }
0x1a: {  	s8 =	sadd.s32 $0xFFFFE003, lr  }
0x1b: {  	s9 =	sadd.s32 $0xFFFFFEF7, lr;
	s5 =	simm.s32 $0xFFFFFFFF;
	p2 =	slt.u32 s8, $0xFFFFF086  }
0x1c: {  	p1 =	slt.u32 s9, $0xF7A;
	s5 =	simm.s32 @!p2 $0x0  }
0x1d: {  	s5 =	simm.s32 @p1 $0x1;
	p0 =	seq.s32 s7, s2  }
0x1e: {  	s7 =	smul.u32 @!p0 $0xF7A, s2;
	p2 =	seq.s32 @!p0 s5, $0x0  }
0x1f: {  	s9 =	smul.u32 $0xF7A, s1;
	s8 =	simm.s32 @!p0 $0x1BF5;
	p2 =	por !p2, p0  }
0x20: {  	[sflag:s8] =	ssyncset.s32 @!p0 $0xFFFFF086;
	s6 =	sadd.s32 @!p0 s3, s7;
	s7 =	simm.s32 @!p0 $0x108  }
0x21: {  	s3 =	sadd.s32 s3, s9;
	s6 =	sadd.s32 @!p0 $0x88, s6;
	s7 =	simm.s32 @p2 $0x1082  }
0x22: {  	[simem:s7], [sflag:s8] =	dma.local @!p0 [hbm:s6], $0xF7A  }
0x23: {  	s9 =	sor.u32 $0xD0000000, s2;
	s6 =	simm.s32 $0x108;
	_ =	swait.ge @!p0 [sflag:s8], $0x0  }
0x24: {  	s3 =	sadd.s32 $0x88, s3;
	s6 =	simm.s32 @!p1 $0x1082;
	[sflag:s4] =	ssyncset.s32 $0xFFFFF086  }
0x25: {  	[simem:s6], [sflag:s4] =	dma.local [hbm:s3], $0xF7A  }
0x26: {  	[smem:$0x3F9B] =	sst s1;
	(tag) =	ssettag s2;
	_ =	strace s9  }
0x27: {  	s1 =	sld [smem:$0x3FAB]  }
0x28: {  	s2 =	sld [smem:$0x3FAC]  }
0x29: {  	s4 =	sld [smem:$0x3FAE]  }
0x2a: {  	p0 =	seq.s32 s5, $0x0;
	s5 =	sld [smem:$0x3FAF]  }
0x2b: {  	s6 =	sld [smem:$0x3FB0]  }
0x2c: {  	s7 =	sld [smem:$0x3FB1]  }
0x2d: {  	s3 =	simm.s32 $0x108;
	s8 =	sld [smem:$0x3FB2]  }
0x2e: {  	s3 =	simm.s32 @!p0 $0x1082;
	s9 =	sld [smem:$0x3FB3]  }
0x2f: {  	lr =	sadd.s32 s0, s3;
	s0 =	sld [smem:$0x3FAA]  }
0x30: {  	s3 =	sld [smem:$0x3FAD]  }
0x31: {  	[smem:$0x3FB6] =	sst s10  }
0x32: {  	s10 =	sld [smem:$0x3FB4];
	_ =	sdelay $0x3  }
0x33: {  	p0 =	seq.s32 s10, $0x1;
	s10 =	sld [smem:$0x3FB6];
	_ =	sdelay $0x3  }
0x34: {  	[smem:$0x3FB6] =	sst s10  }
0x35: {  	s10 =	sld [smem:$0x3FB5];
	_ =	sdelay $0x3  }
0x36: {  	p1 =	seq.s32 s10, $0x1;
	s10 =	sld [smem:$0x3FB6];
	_ =	sdelay $0x3  }
0x37: {  	[smem:$0x3FB6] =	sst s10  }
0x38: {  	s10 =	sld [smem:$0x3FB7]  }
0x39: {  	_ = 	snop;
	(pc) =	sbr.ind lr, $3  }
0x3a: {  	_ = 	snop  }
0x3b: {  	_ = 	snop  }
0x3c: {  	p2 =	seq.s32 s10, $0x1;
	s10 =	sld [smem:$0x3FB6]  }
0x3d: {  	_ =	shalt  }
0x3e: {  	_ =	shalt  }
0x3f: {  	_ =	shalt  }
0x40: {  	_ =	shalt  }
0x41: {  	_ =	shalt  }
0x42: {  	_ =	shalt  }
0x43: {  	_ =	shalt  }
0x44: {  	_ =	shalt  }
0x45: {  	_ =	shalt  }
0x46: {  	_ =	shalt  }
0x47: {  	_ =	shalt  }
0x48: {  	_ =	shalt  }
0x49: {  	_ =	shalt  }
0x4a: {  	_ =	shalt  }
0x4b: {  	_ =	shalt  }
0x4c: {  	_ =	shalt  }
0x4d: {  	_ =	shalt  }
0x4e: {  	_ =	shalt  }
0x4f: {  	_ =	shalt  }
0x50: {  	_ =	shalt  }
0x51: {  	_ =	shalt  }
0x52: {  	_ =	shalt  }
0x53: {  	_ =	shalt  }
0x54: {  	_ =	shalt  }
0x55: {  	_ =	shalt  }
0x56: {  	_ =	shalt  }
0x57: {  	_ =	shalt  }
0x58: {  	_ =	shalt  }
0x59: {  	_ =	shalt  }
0x5a: {  	_ =	shalt  }
0x5b: {  	_ =	shalt  }
0x5c: {  	_ =	shalt  }
0x5d: {  	_ =	shalt  }
0x5e: {  	_ =	shalt  }
0x5f: {  	_ =	shalt  }
0x60: {  	_ =	shalt  }
0x61: {  	_ =	shalt  }
0x62: {  	_ =	shalt  }
0x63: {  	_ =	shalt  }
0x64: {  	_ =	shalt  }
0x65: {  	_ =	shalt  }
0x66: {  	_ =	shalt  }
0x67: {  	_ =	shalt  }
0x68: {  	_ =	shalt  }
0x69: {  	_ =	shalt  }
0x6a: {  	_ =	shalt  }
0x6b: {  	_ =	shalt  }
0x6c: {  	_ =	shalt  }
0x6d: {  	_ =	shalt  }
0x6e: {  	_ =	shalt  }
0x6f: {  	_ =	shalt  }
0x70: {  	_ =	shalt  }
0x71: {  	_ =	shalt  }
0x72: {  	_ =	shalt  }
0x73: {  	_ =	shalt  }
0x74: {  	_ =	shalt  }
0x75: {  	_ =	shalt  }
0x76: {  	_ =	shalt  }
0x77: {  	_ =	shalt  }
0x78: {  	_ =	shalt  }
0x79: {  	_ =	shalt  }
0x7a: {  	_ =	shalt  }
0x7b: {  	_ =	shalt  }
0x7c: {  	_ =	shalt  }
0x7d: {  	_ =	shalt  }
0x7e: {  	_ =	shalt  }
0x7f: {  	_ =	shalt  }
0x80: {  	_ =	shalt  }
0x81: {  	_ =	shalt  }
0x82: {  	_ =	shalt  }
0x83: {  	_ =	shalt  }
0x84: {  	_ =	shalt  }
0x85: {  	_ =	shalt  }
0x86: {  	_ =	shalt  }
0x87: {  	_ =	shalt  }
.Lfunc_end0:
.L_simem_size_0:
called_computation_lowered:
.L_overlay_start_0:
0x88: {  	s2 =	sld [smem:$0x3FD9]  }
0x89: {  	s3 =	sld [smem:$0x3FFE];
	_ =	sdelay $0x1  }
0x8a: {  	s1 =	srdreg.scid  }
0x8b: {  	s0 =	sand.u32 $0x1, s1  }
0x8c: {  	s17 =	sshll.u32 s0, $0xA;
	s2 =	sadd.s32 s3, s2  }
0x8d: {  	s2 =	sadd.s32 s2, s17  }
0x8e: {  	[smem:$0x3FC2] =	sst s2  }
0x8f: {  	_ = 	snop  }
0x90: {  	s2 =	sld [smem:$0x3FC8];
	(tm) =	ssettm $0x1  }
0x91: {  	s18 =	sld [smem:$0x3FFB];
	_ =	sdelay $0x3  }
0x92: {  	_ =	strace s18  }
0x93: {  	s3 =	sld [smem:$0x3FFC];
	_ =	sdelay $0x3  }
0x94: {  	_ =	strace s3  }
0x95: {  	s3 =	sld [smem:$0x3FFD];
	_ =	sdelay $0x3  }
0x96: {  	_ =	strace s3  }
0x97: {  	_ =	strace $0x8FFFFFFF  }
0x98: {  	s19 =	sld [smem:$0x3FDB];
	_ =	sdelay $0x1  }
0x99: {  	s4 =	simm.s32 $_scs_section_size  }
0x9a: {  	s5 =	simm.s32 $_size__tile_overlayer_lowered;
	s6 =	simm.s32 $_tile_overlayer_lowered  }
0x9b: {  	s22 =	simm.s32 $0x1BFF;
	s21 =	sshll.u32 s6, $0x1;
	s3 =	sadd.s32 s4, s19  }
0x9c: {  	s7 =	simm.s32 $0x0;
	s20 =	sshll.u32 s5, $0x1;
	s5 =	sadd.s32 s21, s3  }
0x9d: {  	[timem:s7], [sflag:s22] =	dma.local [hbm:s5], s20  }
0x9e: {  	_ =	swait.ge [sflag:s22], s20  }
0x9f: {  	s4 =	ssub.s32 $0x0, s20;
	[sflag:s22] =	ssyncset.done $0x0  }
0xa0: {  	[sflag:s22] =	ssyncadd.s32 s4;
	_ =	sdelay $0x1  }
0xa1: {  	s23 =	simm.s32 $0x1B8B  }
0xa2: {  	_ =	swait.ge [sflag:s23], $0x1  }
0xa3: {  	[sflag:s23] =	ssyncset.done $0x0  }
0xa4: {  	s25 =	simm.s32 $0x1B8E;
	s24 =	sld [smem:$0x3FFE];
	[sflag:s23] =	ssyncadd.s32 $0xFFFFFFFF  }
0xa5: {  	s26 =	simm.s32 $execute0_lowered;
	[smem:$0x3FD2] =	sst s25  }
0xa6: {  	s5 =	sshll.u32 s26, $0x1;
	_ =	strace $0x80000046;
	[dreg:$0x1] =	wrdreg $0xFFFFFFFF  }
0xa7: {  	s28 =	simm.s32 $_size_execute0_lowered;
	s3 =	sadd.s32 s3, s5;
	[dreg:$0x0] =	wrdreg $0x0  }
0xa8: {  	s5 =	sshll.u32 s28, $0x1;
	[dreg:$0x2] =	wrdreg s3  }
0xa9: {  	[dreg:$0x3] =	wrdreg s5  }
0xaa: {  	[dreg:$0x4] =	wrdreg $0xC0  }
0xab: {  	_ =	task [dreg:s7], $0x5FFFF  }
0xac: {  	[dreg:$0x1] =	wrdreg $0xFFFFFFFF  }
0xad: {  	[dreg:$0x0] =	wrdreg $0x60  }
0xae: {  	[dreg:$0x2] =	wrdreg s2  }
0xaf: {  	[dreg:$0x3] =	wrdreg s24  }
0xb0: {  	[dreg:$0x4] =	wrdreg $0x9  }
0xb1: {  	_ =	task.clear_ibuf [dreg:s7], $0x5FFFF;
	_ =	strace $0x90000046  }
0xb2: {  	s29 =	simm.s32 $0x9;
	_ =	strace $0x80000048  }
0xb3: {  	_ =	swait.ge [sflag:s29], $0x1  }
0xb4: {  	[sflag:s29] =	ssyncadd.s32 $0xFFFFFFFF  }
0xb5: {  	_ =	strace $0x90000048  }
0xb6: {  	_ =	sfence  }
0xb7: {  	s30 =	sld [smem:$0x0];
	_ =	sdelay $0x2  }
0xb8: {  	s31 =	sshll.u32 s1, $0xD;
	s1 =	sshrl.u32 s1, $0x2  }
0xb9: {  	s3 =	sand.u32 $0x4000, s31;
	s1 =	sadd.s32 s1, s30  }
0xba: {  	s0 =	sor.u32 s3, s0;
	s1 =	sshll.u32 s1, $0x11  }
0xbb: {  	s0 =	sor.u32 s1, s0  }
0xbc: {  	s0 =	sadd.s32 $0x8F2B, s0  }
0xbd: {  	[sflag:s0] =	ssyncadd.remote.s32 $0x1  }
0xbe: {  	_ =	sfence.sel $0xFFFF  }
0xbf: {  	[dreg:$0x0] =	wrdreg $0xFFFFFFFF;
	(pc) =	sbr.abs _section_cstart, $3  }
0xc0: {  	[dreg:$0x1] =	wrdreg $0xFFFFFFFF  }
0xc1: {  	_ =	task.clear_ibuf [dreg:s7], $0x2FFFF;
	_ =	strace $0x9FFFFFFF  }
0xc2: {  	(tm) =	ssettm $0x7FFFFFFF  }
0xc3: {  	_ =	shalt  }
tec
execute0_lowered:
.L_overlay_start_1:
0x0: {  	(tag) =	ssettag $0x1  }
0x1: {  	s2 =	rddreg [dreg:$0x0];
	s0 =	srdreg.scid  }
0x2: {  	s3 =	stileid.u32;
	s1 =	rddreg [dreg:$0x1]  }
0x3: {  	s7 =	simm.s32 $0x4;
	s8 =	simm.s32 $0x48;
	s9 =	simm.s32 $0x6400  }
0x4: {  	s10 =	simm.s32 $0x40;
	s11 =	simm.s32 $0x8800;
	s13 =	simm.s32 $0xA800  }
0x5: {  	s15 =	simm.s32 $0xC800;
	s17 =	simm.s32 $0xEC00;
	s19 =	simm.s32 $0x10C00  }
0x6: {  	s20 =	simm.s32 $0x190;
	s21 =	simm.s32 $0x12C00;
	s22 =	simm.s32 $0x1D8  }
0x7: {  	s23 =	simm.s32 $0x15000;
	s24 =	simm.s32 $0x218;
	s25 =	simm.s32 $0x17000  }
0x8: {  	s26 =	simm.s32 $0x1;
	s28 =	simm.s32 $0x2;
	s29 =	simm.s32 $0x3  }
0x9: {  	s30 =	simm.s32 $0x19000;
	s0 =	sand.u32 $0x1, s0;
	s4 =	sshll.u32 s3, $0x1  }
0xa: {  	s31 =	simm.s32 $0x0;
	s3 =	simm.s32 $0x0;
	s4 =	sor.u32 s0, s4  }
0xb: {  	[smem:$0x7FF] =	sst s3;
	s0 =	ssub.s32 $0x2, s0;
	s5 =	smul.u32 $0xC80, s4  }
0xc: {  	_ =	strace $0x80000047;
	s4 =	sshll.u32 s4, $0xB;
	s6 =	sshrl.u32 s0, $0x1  }
0xd: {  	s0 =	ssub.s32 s0, s6;
	s5 =	sadd.s32 s5, s1;
	s1 =	sadd.s32 s4, s1  }
0xe: {  	s6 =	smax.u32 s0, $0x1;
	s4 =	sadd.s32 $0xE00, s5;
	s5 =	sadd.s32 $0x19E00, s1  }
.LBB2_1:
0xf: {  	[tilespmem:s3], [sflag:$0x4] =	stream.linear.gather [hbm4b:s4+s3], $0x6400, $0x38;
	[tilespmem:$0x1D000] =	vst v63  }
0x10: {  	_ =	swait.ge [sflag:s7], $0x6400  }
0x11: {  	[sflag:s7] =	ssyncset.done $0x0  }
0x12: {  	[sflag:s7] =	ssyncadd.s32 $0xFFFF9C00  }
0x13: {  	[tilespmem:s9], [sflag:$0x1] =	stream.indirect.gather [hbm4b:s2+s8], $0x80, s3, s8, $0xb8;
	[tilespmem:$0x1D000] =	vst v63  }
0x14: {  	_ = 	snop  }
0x15: {  	[tilespmem:s11], [sflag:$0x1] =	stream.indirect.gather [hbm4b:s2+s10], $0x80, s8, s10, $0xb8;
	[tilespmem:$0x1D000] =	vst v63  }
0x16: {  	s0 =	simm.s32 $0x88  }
0x17: {  	[tilespmem:s13], [sflag:$0x1] =	stream.indirect.gather [hbm4b:s2+s10], $0x80, s0, s10, $0xb8;
	[tilespmem:$0x1D000] =	vst v63  }
0x18: {  	s14 =	simm.s32 $0xC8  }
0x19: {  	[tilespmem:s15], [sflag:$0x2] =	stream.indirect.gather [hbm4b:s2+s8], $0x80, s14, s8, $0xb8;
	[tilespmem:$0x1D000] =	vst v63  }
0x1a: {  	s16 =	simm.s32 $0x110  }
0x1b: {  	[tilespmem:s17], [sflag:$0x2] =	stream.indirect.gather [hbm4b:s2+s10], $0x80, s16, s10, $0xb8;
	[tilespmem:$0x1D000] =	vst v63  }
0x1c: {  	s18 =	simm.s32 $0x150  }
0x1d: {  	[tilespmem:s19], [sflag:$0x2] =	stream.indirect.gather [hbm4b:s2+s10], $0x80, s18, s10, $0xb8;
	[tilespmem:$0x1D000] =	vst v63  }
0x1e: {  	_ = 	snop  }
0x1f: {  	[tilespmem:s21], [sflag:$0x3] =	stream.indirect.gather [hbm4b:s2+s8], $0x80, s20, s8, $0xb8;
	[tilespmem:$0x1D000] =	vst v63  }
0x20: {  	_ = 	snop  }
0x21: {  	[tilespmem:s23], [sflag:$0x3] =	stream.indirect.gather [hbm4b:s2+s10], $0x80, s22, s10, $0xb8;
	[tilespmem:$0x1D000] =	vst v63  }
0x22: {  	s1 =	simm.s32 $0x0  }
0x23: {  	[tilespmem:s25], [sflag:$0x3] =	stream.indirect.gather [hbm4b:s2+s10], $0x80, s24, s10, $0xb8;
	[tilespmem:$0x1D000] =	vst v63  }
.LBB2_2:
0x24: {  	_ =	swait.ge [sflag:s26], $0x2400  }
0x25: {  	[sflag:s26] =	ssyncset.done $0x0  }
0x26: {  	[sflag:s26] =	ssyncadd.s32 $0xFFFFDC00  }
0x27: {  	_ =	swait.ge [sflag:s26], $0x2000  }
0x28: {  	[sflag:s26] =	ssyncset.done $0x0  }
0x29: {  	[sflag:s26] =	ssyncadd.s32 $0xFFFFE000  }
0x2a: {  	_ =	swait.ge [sflag:s26], $0x2000  }
0x2b: {  	[sflag:s26] =	ssyncset.done $0x0  }
0x2c: {  	s0 =	simm.s32 $0x0;
	[sflag:s26] =	ssyncadd.s32 $0xFFFFE000  }
0x2d: {  	v0 =	vld [tilespmem:s0+$0x6470]  }
0x2e: {  	v2 =	vld [tilespmem:s0+$0x6400]  }
0x2f: {  	v4 =	vld [tilespmem:s0+$0x6410]  }
0x30: {  	v5 =	vld [tilespmem:s0+$0x6420]  }
0x31: {  	v8 =	vld [tilespmem:s0+$0x6430]  }
0x32: {  	v3 =	vimm.f32 $0.0e+00;
	v9 =	vimm.f32 $0.0e+00;
	v6 =	vld [tilespmem:s0+$0x6440]  }
0x33: {  	v10 =	vimm.f32 $0.0e+00;
	v7 =	vimm.f32 $0.0e+00;
	v11 =	vld [tilespmem:s0+$0x6450];
	v1 =	vadd.f32 v0, v3  }
0x34: {  	s12 =	simm.s32 $0x80;
	s14 =	simm.s32 $0x400;
	v12 =	vld [tilespmem:s0+$0x6460];
	v0 =	vadd.f32 v2, v3;
	v2 =	vadd.f32 v4, v3;
	v4 =	vimm.f32 $0.0e+00  }
.LBB2_3:
0x35: {  	p0 =	sne.s32 s14, $0x8E00;
	v13 =	vld [tilespmem:s12+$0x6470];
	v3 =	vadd.f32 v5, v3  }
0x36: {  	v14 =	vld [tilespmem:s12+$0x6400];
	v4 =	vadd.f32 v8, v4  }
0x37: {  	v15 =	vld [tilespmem:s12+$0x6410];
	v9 =	vadd.f32 v6, v9  }
.Ltmp0:
0x38: {  	v5 =	vld [tilespmem:s12+$0x6420];
	v10 =	vadd.f32 v11, v10;
	(pc) =	sbr.rel @p0 .LBB2_3-.Ltmp0, $4  }
0x39: {  	v8 =	vld [tilespmem:s12+$0x6430];
	v7 =	vadd.f32 v12, v7  }
0x3a: {  	v6 =	vld [tilespmem:s12+$0x6440];
	v1 =	vadd.f32 v13, v1  }
0x3b: {  	v0 =	vadd.f32 v14, v0;
	v11 =	vld [tilespmem:s12+$0x6450]  }
0x3c: {  	v2 =	vadd.f32 v15, v2;
	v12 =	vld [tilespmem:s12+$0x6460];
	s12 =	sshra.s32 s14, $0x2;
	s14 =	sadd.s32 $0x200, s14  }
0x3d: {  	v13 =	vld [tilespmem:s12+$0x6470]  }
0x3e: {  	v14 =	vld [tilespmem:s12+$0x6400]  }
0x3f: {  	v15 =	vld [tilespmem:s12+$0x6410]  }
0x40: {  	v16 =	vld [tilespmem:s12+$0x6420]  }
0x41: {  	v17 =	vld [tilespmem:s12+$0x6430]  }
0x42: {  	v18 =	vld [tilespmem:s12+$0x6440]  }
0x43: {  	v19 =	vld [tilespmem:s12+$0x6450]  }
0x44: {  	v20 =	vld [tilespmem:s12+$0x6460]  }
0x45: {  	v3 =	vadd.f32 v5, v3;
	v5 =	vld [tilespmem:s0+$0x8870];
	v4 =	vadd.f32 v8, v4  }
0x46: {  	v21 =	vld [tilespmem:s0+$0x8800];
	v6 =	vadd.f32 v6, v9;
	v10 =	vadd.f32 v11, v10  }
0x47: {  	v7 =	vadd.f32 v12, v7;
	v12 =	vld [tilespmem:s0+$0x8810];
	v11 =	vadd.f32 v13, v1  }
0x48: {  	v8 =	vld [tilespmem:s0+$0x8820];
	v13 =	vadd.f32 v14, v0;
	v14 =	vadd.f32 v15, v2  }
0x49: {  	v9 =	vld [tilespmem:s0+$0x8830];
	v0 =	vadd.f32 v16, v3;
	v1 =	vadd.f32 v17, v4  }
0x4a: {  	v2 =	vadd.f32 v18, v6;
	v3 =	vadd.f32 v19, v10;
	v10 =	vld [tilespmem:s0+$0x8840]  }
0x4b: {  	v4 =	vadd.f32 v20, v7;
	v5 =	vadd.f32 v5, v11;
	v11 =	vld [tilespmem:s0+$0x8850]  }
0x4c: {  	s12 =	simm.s32 $0x80;
	s14 =	simm.s32 $0x400;
	v6 =	vadd.f32 v21, v13;
	v7 =	vadd.f32 v12, v14;
	v12 =	vld [tilespmem:s0+$0x8860]  }
.LBB2_5:
0x4d: {  	p0 =	sne.s32 s14, $0x7E00;
	v13 =	vld [tilespmem:s12+$0x8870];
	v0 =	vadd.f32 v8, v0  }
0x4e: {  	v14 =	vld [tilespmem:s12+$0x8800];
	v1 =	vadd.f32 v9, v1  }
0x4f: {  	v15 =	vld [tilespmem:s12+$0x8810];
	v2 =	vadd.f32 v10, v2  }
.Ltmp1:
0x50: {  	v8 =	vld [tilespmem:s12+$0x8820];
	v3 =	vadd.f32 v11, v3;
	(pc) =	sbr.rel @p0 .LBB2_5-.Ltmp1, $4  }
0x51: {  	v9 =	vld [tilespmem:s12+$0x8830];
	v4 =	vadd.f32 v12, v4  }
0x52: {  	v10 =	vld [tilespmem:s12+$0x8840];
	v5 =	vadd.f32 v13, v5  }
0x53: {  	v6 =	vadd.f32 v14, v6;
	v11 =	vld [tilespmem:s12+$0x8850]  }
0x54: {  	v7 =	vadd.f32 v15, v7;
	v12 =	vld [tilespmem:s12+$0x8860];
	s12 =	sshra.s32 s14, $0x2;
	s14 =	sadd.s32 $0x200, s14  }
0x55: {  	v13 =	vld [tilespmem:s12+$0x8870]  }
0x56: {  	v14 =	vld [tilespmem:s12+$0x8800]  }
0x57: {  	v15 =	vld [tilespmem:s12+$0x8810]  }
0x58: {  	v16 =	vld [tilespmem:s12+$0x8820]  }
0x59: {  	v17 =	vld [tilespmem:s12+$0x8830]  }
0x5a: {  	v18 =	vld [tilespmem:s12+$0x8840]  }
0x5b: {  	v19 =	vld [tilespmem:s12+$0x8850]  }
0x5c: {  	v20 =	vld [tilespmem:s12+$0x8860];
	s14 =	simm.s32 $0x0  }
0x5d: {  	v0 =	vadd.f32 v8, v0;
	v1 =	vadd.f32 v9, v1;
	v21 =	vld [tilespmem:s14+$0xA870]  }
0x5e: {  	v22 =	vld [tilespmem:s14+$0xA810];
	v2 =	vadd.f32 v10, v2;
	v10 =	vadd.f32 v11, v3  }
0x5f: {  	v11 =	vld [tilespmem:s14+$0xA800];
	v12 =	vadd.f32 v12, v4;
	v13 =	vadd.f32 v13, v5  }
0x60: {  	v8 =	vld [tilespmem:s14+$0xA820];
	v14 =	vadd.f32 v14, v6;
	v15 =	vadd.f32 v15, v7  }
0x61: {  	v9 =	vld [tilespmem:s14+$0xA830];
	v5 =	vadd.f32 v16, v0;
	v4 =	vadd.f32 v17, v1  }
0x62: {  	v3 =	vadd.f32 v18, v2;
	v2 =	vadd.f32 v19, v10;
	v6 =	vld [tilespmem:s14+$0xA840]  }
0x63: {  	v7 =	vld [tilespmem:s14+$0xA850];
	v1 =	vadd.f32 v20, v12;
	v0 =	vadd.f32 v21, v13  }
0x64: {  	s0 =	simm.s32 $0x80;
	s12 =	simm.s32 $0x400;
	v10 =	vld [tilespmem:s14+$0xA860];
	v12 =	vadd.f32 v22, v15;
	v11 =	vadd.f32 v11, v14  }
.LBB2_7:
0x65: {  	p0 =	sne.s32 s12, $0x7E00;
	v13 =	vld [tilespmem:s0+$0xA870];
	v5 =	vadd.f32 v8, v5  }
0x66: {  	v14 =	vld [tilespmem:s0+$0xA800];
	v4 =	vadd.f32 v9, v4  }
0x67: {  	v15 =	vld [tilespmem:s0+$0xA810];
	v3 =	vadd.f32 v6, v3  }
.Ltmp2:
0x68: {  	v8 =	vld [tilespmem:s0+$0xA820];
	v2 =	vadd.f32 v7, v2;
	(pc) =	sbr.rel @p0 .LBB2_7-.Ltmp2, $4  }
0x69: {  	v9 =	vld [tilespmem:s0+$0xA830];
	v1 =	vadd.f32 v10, v1  }
0x6a: {  	v6 =	vld [tilespmem:s0+$0xA840];
	v0 =	vadd.f32 v13, v0  }
0x6b: {  	v11 =	vadd.f32 v14, v11;
	v7 =	vld [tilespmem:s0+$0xA850]  }
0x6c: {  	v12 =	vadd.f32 v15, v12;
	v10 =	vld [tilespmem:s0+$0xA860];
	s0 =	sshra.s32 s12, $0x2;
	s12 =	sadd.s32 $0x200, s12  }
0x6d: {  	v13 =	vld [tilespmem:s0+$0xA800]  }
0x6e: {  	v14 =	vld [tilespmem:s0+$0xA810]  }
0x6f: {  	v15 =	vld [tilespmem:s0+$0xA820]  }
0x70: {  	v16 =	vld [tilespmem:s0+$0xA830]  }
0x71: {  	v17 =	vld [tilespmem:s0+$0xA840];
	v5 =	vadd.f32 v8, v5  }
0x72: {  	v3 =	vadd.f32 v6, v3;
	v6 =	vld [tilespmem:s0+$0xA870];
	v8 =	vadd.f32 v13, v11  }
0x73: {  	s12 =	smul.u32 $0x600, s1;
	v4 =	vadd.f32 v9, v4;
	v11 =	vld [tilespmem:s0+$0xA850];
	v9 =	vadd.f32 v14, v12  }
0x74: {  	v12 =	vld [tilespmem:s0+$0xA860];
	v5 =	vadd.f32 v15, v5;
	v8 =	vmul.f32 $4.999999890e-03, v8  }
0x75: {  	v2 =	vadd.f32 v7, v2;
	v4 =	vadd.f32 v16, v4;
	s0 =	sshra.s32 s12, $0x2;
	v7 =	vmul.f32 $4.999999890e-03, v9  }
0x76: {  	v3 =	vadd.f32 v17, v3;
	v5 =	vmul.f32 $4.999999890e-03, v5;
	[tilespmem:s0+$0x19000] =	vst v8  }
0x77: {  	v1 =	vadd.f32 v10, v1;
	v4 =	vmul.f32 $4.999999890e-03, v4;
	v0 =	vadd.f32 v6, v0;
	[tilespmem:s0+$0x19010] =	vst v7  }
0x78: {  	v3 =	vmul.f32 $4.999999890e-03, v3;
	[tilespmem:s0+$0x19020] =	vst v5;
	v2 =	vadd.f32 v11, v2  }
0x79: {  	[tilespmem:s0+$0x19030] =	vst v4;
	v0 =	vmul.f32 $4.999999890e-03, v0;
	v1 =	vadd.f32 v12, v1  }
0x7a: {  	[tilespmem:s0+$0x19040] =	vst v3;
	v2 =	vmul.f32 $4.999999890e-03, v2  }
0x7b: {  	s12 =	smul.u32 $0x258, s1;
	[tilespmem:s0+$0x19070] =	vst v0;
	v1 =	vmul.f32 $4.999999890e-03, v1  }
0x7c: {  	[tilespmem:s0+$0x19050] =	vst v2  }
0x7d: {  	s14 =	sadd.s32 $0x258, s12;
	[tilespmem:s0+$0x19060] =	vst v1  }
0x7e: {  	[tilespmem:s9], [sflag:$0x1] =	stream.indirect.gather [hbm4b:s2+s8], $0x80, s14, s8, $0xb8;
	[tilespmem:$0x1D000] =	vst v63  }
0x7f: {  	s16 =	sadd.s32 $0x2A0, s12  }
0x80: {  	[tilespmem:s11], [sflag:$0x1] =	stream.indirect.gather [hbm4b:s2+s10], $0x80, s16, s10, $0xb8;
	[tilespmem:$0x1D000] =	vst v63  }
0x81: {  	s18 =	sadd.s32 $0x2E0, s12  }
0x82: {  	[tilespmem:s13], [sflag:$0x1] =	stream.indirect.gather [hbm4b:s2+s10], $0x80, s18, s10, $0xb8;
	[tilespmem:$0x1D000] =	vst v63  }
0x83: {  	_ =	swait.ge [sflag:s28], $0x2400  }
0x84: {  	[sflag:s28] =	ssyncset.done $0x0  }
0x85: {  	[sflag:s28] =	ssyncadd.s32 $0xFFFFDC00  }
0x86: {  	_ =	swait.ge [sflag:s28], $0x2000  }
0x87: {  	[sflag:s28] =	ssyncset.done $0x0  }
0x88: {  	[sflag:s28] =	ssyncadd.s32 $0xFFFFE000  }
0x89: {  	_ =	swait.ge [sflag:s28], $0x2000  }
0x8a: {  	[sflag:s28] =	ssyncset.done $0x0  }
0x8b: {  	s14 =	simm.s32 $0x0;
	[sflag:s28] =	ssyncadd.s32 $0xFFFFE000  }
0x8c: {  	v0 =	vld [tilespmem:s14+$0xC870]  }
0x8d: {  	v2 =	vld [tilespmem:s14+$0xC800]  }
0x8e: {  	v4 =	vld [tilespmem:s14+$0xC810]  }
0x8f: {  	v5 =	vld [tilespmem:s14+$0xC820]  }
0x90: {  	v8 =	vld [tilespmem:s14+$0xC830]  }
0x91: {  	v10 =	vimm.f32 $0.0e+00;
	v3 =	vimm.f32 $0.0e+00;
	v6 =	vld [tilespmem:s14+$0xC840]  }
0x92: {  	v9 =	vimm.f32 $0.0e+00;
	v7 =	vimm.f32 $0.0e+00;
	v11 =	vld [tilespmem:s14+$0xC850];
	v1 =	vadd.f32 v0, v3  }
0x93: {  	s16 =	simm.s32 $0x80;
	s18 =	simm.s32 $0x400;
	v12 =	vld [tilespmem:s14+$0xC860];
	v0 =	vadd.f32 v2, v3;
	v2 =	vadd.f32 v4, v3;
	v4 =	vimm.f32 $0.0e+00  }
.LBB2_9:
0x94: {  	p0 =	sne.s32 s18, $0x8E00;
	v13 =	vld [tilespmem:s16+$0xC870];
	v3 =	vadd.f32 v5, v3  }
0x95: {  	v14 =	vld [tilespmem:s16+$0xC800];
	v4 =	vadd.f32 v8, v4  }
0x96: {  	v15 =	vld [tilespmem:s16+$0xC810];
	v9 =	vadd.f32 v6, v9  }
.Ltmp3:
0x97: {  	v5 =	vld [tilespmem:s16+$0xC820];
	v10 =	vadd.f32 v11, v10;
	(pc) =	sbr.rel @p0 .LBB2_9-.Ltmp3, $4  }
0x98: {  	v8 =	vld [tilespmem:s16+$0xC830];
	v7 =	vadd.f32 v12, v7  }
0x99: {  	v6 =	vld [tilespmem:s16+$0xC840];
	v1 =	vadd.f32 v13, v1  }
0x9a: {  	v0 =	vadd.f32 v14, v0;
	v11 =	vld [tilespmem:s16+$0xC850]  }
0x9b: {  	v2 =	vadd.f32 v15, v2;
	v12 =	vld [tilespmem:s16+$0xC860];
	s16 =	sshra.s32 s18, $0x2;
	s18 =	sadd.s32 $0x200, s18  }
0x9c: {  	v13 =	vld [tilespmem:s16+$0xC870]  }
0x9d: {  	v14 =	vld [tilespmem:s16+$0xC800]  }
0x9e: {  	v15 =	vld [tilespmem:s16+$0xC810]  }
0x9f: {  	v16 =	vld [tilespmem:s16+$0xC820]  }
0xa0: {  	v17 =	vld [tilespmem:s16+$0xC830]  }
0xa1: {  	v18 =	vld [tilespmem:s16+$0xC840]  }
0xa2: {  	v19 =	vld [tilespmem:s16+$0xC850]  }
0xa3: {  	v20 =	vld [tilespmem:s16+$0xC860]  }
0xa4: {  	v3 =	vadd.f32 v5, v3;
	v5 =	vld [tilespmem:s14+$0xEC70];
	v4 =	vadd.f32 v8, v4  }
0xa5: {  	v21 =	vld [tilespmem:s14+$0xEC00];
	v6 =	vadd.f32 v6, v9;
	v10 =	vadd.f32 v11, v10  }
0xa6: {  	v7 =	vadd.f32 v12, v7;
	v12 =	vld [tilespmem:s14+$0xEC10];
	v11 =	vadd.f32 v13, v1  }
0xa7: {  	v8 =	vld [tilespmem:s14+$0xEC20];
	v13 =	vadd.f32 v14, v0;
	v14 =	vadd.f32 v15, v2  }
0xa8: {  	v9 =	vld [tilespmem:s14+$0xEC30];
	v0 =	vadd.f32 v16, v3;
	v1 =	vadd.f32 v17, v4  }
0xa9: {  	v2 =	vadd.f32 v18, v6;
	v3 =	vadd.f32 v19, v10;
	v10 =	vld [tilespmem:s14+$0xEC40]  }
0xaa: {  	v4 =	vadd.f32 v20, v7;
	v5 =	vadd.f32 v5, v11;
	v11 =	vld [tilespmem:s14+$0xEC50]  }
0xab: {  	s16 =	simm.s32 $0x80;
	s18 =	simm.s32 $0x400;
	v6 =	vadd.f32 v21, v13;
	v7 =	vadd.f32 v12, v14;
	v12 =	vld [tilespmem:s14+$0xEC60]  }
.LBB2_11:
0xac: {  	p0 =	sne.s32 s18, $0x7E00;
	v13 =	vld [tilespmem:s16+$0xEC70];
	v0 =	vadd.f32 v8, v0  }
0xad: {  	v14 =	vld [tilespmem:s16+$0xEC00];
	v1 =	vadd.f32 v9, v1  }
0xae: {  	v15 =	vld [tilespmem:s16+$0xEC10];
	v2 =	vadd.f32 v10, v2  }
.Ltmp4:
0xaf: {  	v8 =	vld [tilespmem:s16+$0xEC20];
	v3 =	vadd.f32 v11, v3;
	(pc) =	sbr.rel @p0 .LBB2_11-.Ltmp4, $4  }
0xb0: {  	v9 =	vld [tilespmem:s16+$0xEC30];
	v4 =	vadd.f32 v12, v4  }
0xb1: {  	v10 =	vld [tilespmem:s16+$0xEC40];
	v5 =	vadd.f32 v13, v5  }
0xb2: {  	v6 =	vadd.f32 v14, v6;
	v11 =	vld [tilespmem:s16+$0xEC50]  }
0xb3: {  	v7 =	vadd.f32 v15, v7;
	v12 =	vld [tilespmem:s16+$0xEC60];
	s16 =	sshra.s32 s18, $0x2;
	s18 =	sadd.s32 $0x200, s18  }
0xb4: {  	v13 =	vld [tilespmem:s16+$0xEC70]  }
0xb5: {  	v14 =	vld [tilespmem:s16+$0xEC00]  }
0xb6: {  	v15 =	vld [tilespmem:s16+$0xEC10]  }
0xb7: {  	v16 =	vld [tilespmem:s16+$0xEC20]  }
0xb8: {  	v17 =	vld [tilespmem:s16+$0xEC30]  }
0xb9: {  	v18 =	vld [tilespmem:s16+$0xEC40]  }
0xba: {  	v19 =	vld [tilespmem:s16+$0xEC50]  }
0xbb: {  	v20 =	vld [tilespmem:s16+$0xEC60];
	s18 =	simm.s32 $0x0  }
0xbc: {  	v0 =	vadd.f32 v8, v0;
	v1 =	vadd.f32 v9, v1;
	v9 =	vld [tilespmem:s18+$0x10C70]  }
0xbd: {  	v2 =	vadd.f32 v10, v2;
	v10 =	vld [tilespmem:s18+$0x10C00];
	v8 =	vadd.f32 v11, v3  }
0xbe: {  	v11 =	vadd.f32 v12, v4;
	v12 =	vadd.f32 v13, v5;
	v13 =	vld [tilespmem:s18+$0x10C10]  }
0xbf: {  	v14 =	vadd.f32 v14, v6;
	v15 =	vadd.f32 v15, v7;
	v6 =	vld [tilespmem:s18+$0x10C20]  }
0xc0: {  	v5 =	vadd.f32 v16, v0;
	v4 =	vadd.f32 v17, v1;
	v7 =	vld [tilespmem:s18+$0x10C30]  }
0xc1: {  	v3 =	vadd.f32 v18, v2;
	v2 =	vadd.f32 v19, v8;
	v8 =	vld [tilespmem:s18+$0x10C40]  }
0xc2: {  	v1 =	vadd.f32 v20, v11;
	v0 =	vadd.f32 v9, v12;
	v9 =	vld [tilespmem:s18+$0x10C50]  }
0xc3: {  	s14 =	simm.s32 $0x80;
	s16 =	simm.s32 $0x400;
	v10 =	vadd.f32 v10, v14;
	v12 =	vld [tilespmem:s18+$0x10C60];
	v11 =	vadd.f32 v13, v15  }
.LBB2_13:
0xc4: {  	p0 =	sne.s32 s16, $0x7E00;
	v13 =	vld [tilespmem:s14+$0x10C70];
	v5 =	vadd.f32 v6, v5  }
0xc5: {  	v14 =	vld [tilespmem:s14+$0x10C00];
	v4 =	vadd.f32 v7, v4  }
0xc6: {  	v15 =	vld [tilespmem:s14+$0x10C10];
	v3 =	vadd.f32 v8, v3  }
.Ltmp5:
0xc7: {  	v6 =	vld [tilespmem:s14+$0x10C20];
	v2 =	vadd.f32 v9, v2;
	(pc) =	sbr.rel @p0 .LBB2_13-.Ltmp5, $4  }
0xc8: {  	v7 =	vld [tilespmem:s14+$0x10C30];
	v1 =	vadd.f32 v12, v1  }
0xc9: {  	v8 =	vld [tilespmem:s14+$0x10C40];
	v0 =	vadd.f32 v13, v0  }
0xca: {  	v10 =	vadd.f32 v14, v10;
	v9 =	vld [tilespmem:s14+$0x10C50]  }
0xcb: {  	v11 =	vadd.f32 v15, v11;
	v12 =	vld [tilespmem:s14+$0x10C60];
	s14 =	sshra.s32 s16, $0x2;
	s16 =	sadd.s32 $0x200, s16  }
0xcc: {  	v13 =	vld [tilespmem:s14+$0x10C00]  }
0xcd: {  	v14 =	vld [tilespmem:s14+$0x10C10]  }
0xce: {  	v15 =	vld [tilespmem:s14+$0x10C20]  }
0xcf: {  	v16 =	vld [tilespmem:s14+$0x10C30]  }
0xd0: {  	v17 =	vld [tilespmem:s14+$0x10C40];
	v5 =	vadd.f32 v6, v5  }
0xd1: {  	v3 =	vadd.f32 v8, v3;
	v8 =	vld [tilespmem:s14+$0x10C70];
	v6 =	vadd.f32 v13, v10  }
0xd2: {  	v4 =	vadd.f32 v7, v4;
	v10 =	vld [tilespmem:s14+$0x10C50];
	v7 =	vadd.f32 v14, v11  }
0xd3: {  	v11 =	vld [tilespmem:s14+$0x10C60];
	v5 =	vadd.f32 v15, v5;
	v6 =	vmul.f32 $4.999999890e-03, v6  }
0xd4: {  	v4 =	vadd.f32 v16, v4;
	v7 =	vmul.f32 $4.999999890e-03, v7  }
0xd5: {  	v2 =	vadd.f32 v9, v2;
	v3 =	vadd.f32 v17, v3;
	v5 =	vmul.f32 $4.999999890e-03, v5;
	[tilespmem:s0+$0x19080] =	vst v6  }
0xd6: {  	v1 =	vadd.f32 v12, v1;
	v4 =	vmul.f32 $4.999999890e-03, v4;
	v0 =	vadd.f32 v8, v0;
	[tilespmem:s0+$0x19090] =	vst v7  }
0xd7: {  	v3 =	vmul.f32 $4.999999890e-03, v3;
	[tilespmem:s0+$0x190A0] =	vst v5;
	v2 =	vadd.f32 v10, v2  }
0xd8: {  	[tilespmem:s0+$0x190B0] =	vst v4;
	v0 =	vmul.f32 $4.999999890e-03, v0;
	v1 =	vadd.f32 v11, v1  }
0xd9: {  	[tilespmem:s0+$0x190C0] =	vst v3;
	v2 =	vmul.f32 $4.999999890e-03, v2  }
0xda: {  	[tilespmem:s0+$0x190F0] =	vst v0;
	v1 =	vmul.f32 $4.999999890e-03, v1  }
0xdb: {  	[tilespmem:s0+$0x190D0] =	vst v2  }
0xdc: {  	s18 =	sadd.s32 $0x320, s12;
	[tilespmem:s0+$0x190E0] =	vst v1  }
0xdd: {  	[tilespmem:s15], [sflag:$0x2] =	stream.indirect.gather [hbm4b:s2+s8], $0x80, s18, s8, $0xb8;
	[tilespmem:$0x1D000] =	vst v63  }
0xde: {  	s16 =	sadd.s32 $0x368, s12  }
0xdf: {  	[tilespmem:s17], [sflag:$0x2] =	stream.indirect.gather [hbm4b:s2+s10], $0x80, s16, s10, $0xb8;
	[tilespmem:$0x1D000] =	vst v63  }
0xe0: {  	s18 =	sadd.s32 $0x3A8, s12  }
0xe1: {  	[tilespmem:s19], [sflag:$0x2] =	stream.indirect.gather [hbm4b:s2+s10], $0x80, s18, s10, $0xb8;
	[tilespmem:$0x1D000] =	vst v63  }
0xe2: {  	_ =	swait.ge [sflag:s29], $0x2400  }
0xe3: {  	[sflag:s29] =	ssyncset.done $0x0  }
0xe4: {  	[sflag:s29] =	ssyncadd.s32 $0xFFFFDC00  }
0xe5: {  	_ =	swait.ge [sflag:s29], $0x2000  }
0xe6: {  	[sflag:s29] =	ssyncset.done $0x0  }
0xe7: {  	[sflag:s29] =	ssyncadd.s32 $0xFFFFE000  }
0xe8: {  	_ =	swait.ge [sflag:s29], $0x2000  }
0xe9: {  	[sflag:s29] =	ssyncset.done $0x0  }
0xea: {  	s14 =	simm.s32 $0x0;
	[sflag:s29] =	ssyncadd.s32 $0xFFFFE000  }
0xeb: {  	v0 =	vld [tilespmem:s14+$0x12C70]  }
0xec: {  	v2 =	vld [tilespmem:s14+$0x12C00]  }
0xed: {  	v4 =	vld [tilespmem:s14+$0x12C10]  }
0xee: {  	v5 =	vld [tilespmem:s14+$0x12C20]  }
0xef: {  	v8 =	vld [tilespmem:s14+$0x12C30]  }
0xf0: {  	v9 =	vimm.f32 $0.0e+00;
	v3 =	vimm.f32 $0.0e+00;
	v6 =	vld [tilespmem:s14+$0x12C40]  }
0xf1: {  	v7 =	vimm.f32 $0.0e+00;
	v10 =	vimm.f32 $0.0e+00;
	v11 =	vld [tilespmem:s14+$0x12C50];
	v1 =	vadd.f32 v0, v3  }
0xf2: {  	s16 =	simm.s32 $0x80;
	s18 =	simm.s32 $0x400;
	v12 =	vld [tilespmem:s14+$0x12C60];
	v0 =	vadd.f32 v2, v3;
	v2 =	vadd.f32 v4, v3;
	v4 =	vimm.f32 $0.0e+00  }
.LBB2_15:
0xf3: {  	p0 =	sne.s32 s18, $0x8E00;
	v13 =	vld [tilespmem:s16+$0x12C70];
	v3 =	vadd.f32 v5, v3  }
0xf4: {  	v14 =	vld [tilespmem:s16+$0x12C00];
	v4 =	vadd.f32 v8, v4  }
0xf5: {  	v15 =	vld [tilespmem:s16+$0x12C10];
	v9 =	vadd.f32 v6, v9  }
.Ltmp6:
0xf6: {  	v5 =	vld [tilespmem:s16+$0x12C20];
	v10 =	vadd.f32 v11, v10;
	(pc) =	sbr.rel @p0 .LBB2_15-.Ltmp6, $4  }
0xf7: {  	v8 =	vld [tilespmem:s16+$0x12C30];
	v7 =	vadd.f32 v12, v7  }
0xf8: {  	v6 =	vld [tilespmem:s16+$0x12C40];
	v1 =	vadd.f32 v13, v1  }
0xf9: {  	v0 =	vadd.f32 v14, v0;
	v11 =	vld [tilespmem:s16+$0x12C50]  }
0xfa: {  	v2 =	vadd.f32 v15, v2;
	v12 =	vld [tilespmem:s16+$0x12C60];
	s16 =	sshra.s32 s18, $0x2;
	s18 =	sadd.s32 $0x200, s18  }
0xfb: {  	v13 =	vld [tilespmem:s16+$0x12C70]  }
0xfc: {  	v14 =	vld [tilespmem:s16+$0x12C00]  }
0xfd: {  	v15 =	vld [tilespmem:s16+$0x12C10]  }
0xfe: {  	v16 =	vld [tilespmem:s16+$0x12C20]  }
0xff: {  	v17 =	vld [tilespmem:s16+$0x12C30]  }
0x100: {  	v18 =	vld [tilespmem:s16+$0x12C40]  }
0x101: {  	v19 =	vld [tilespmem:s16+$0x12C50]  }
0x102: {  	v20 =	vld [tilespmem:s16+$0x12C60]  }
0x103: {  	v3 =	vadd.f32 v5, v3;
	v5 =	vld [tilespmem:s14+$0x15070];
	v4 =	vadd.f32 v8, v4  }
0x104: {  	v21 =	vld [tilespmem:s14+$0x15000];
	v6 =	vadd.f32 v6, v9;
	v10 =	vadd.f32 v11, v10  }
0x105: {  	v7 =	vadd.f32 v12, v7;
	v12 =	vld [tilespmem:s14+$0x15010];
	v11 =	vadd.f32 v13, v1  }
0x106: {  	v8 =	vld [tilespmem:s14+$0x15020];
	v13 =	vadd.f32 v14, v0;
	v14 =	vadd.f32 v15, v2  }
0x107: {  	v9 =	vld [tilespmem:s14+$0x15030];
	v0 =	vadd.f32 v16, v3;
	v1 =	vadd.f32 v17, v4  }
0x108: {  	v2 =	vadd.f32 v18, v6;
	v3 =	vadd.f32 v19, v10;
	v10 =	vld [tilespmem:s14+$0x15040]  }
0x109: {  	v4 =	vadd.f32 v20, v7;
	v5 =	vadd.f32 v5, v11;
	v11 =	vld [tilespmem:s14+$0x15050]  }
0x10a: {  	s16 =	simm.s32 $0x80;
	s18 =	simm.s32 $0x400;
	v6 =	vadd.f32 v21, v13;
	v7 =	vadd.f32 v12, v14;
	v12 =	vld [tilespmem:s14+$0x15060]  }
.LBB2_17:
0x10b: {  	p0 =	sne.s32 s18, $0x7E00;
	v13 =	vld [tilespmem:s16+$0x15070];
	v0 =	vadd.f32 v8, v0  }
0x10c: {  	v14 =	vld [tilespmem:s16+$0x15000];
	v1 =	vadd.f32 v9, v1  }
0x10d: {  	v15 =	vld [tilespmem:s16+$0x15010];
	v2 =	vadd.f32 v10, v2  }
.Ltmp7:
0x10e: {  	v8 =	vld [tilespmem:s16+$0x15020];
	v3 =	vadd.f32 v11, v3;
	(pc) =	sbr.rel @p0 .LBB2_17-.Ltmp7, $4  }
0x10f: {  	v9 =	vld [tilespmem:s16+$0x15030];
	v4 =	vadd.f32 v12, v4  }
0x110: {  	v10 =	vld [tilespmem:s16+$0x15040];
	v5 =	vadd.f32 v13, v5  }
0x111: {  	v6 =	vadd.f32 v14, v6;
	v11 =	vld [tilespmem:s16+$0x15050]  }
0x112: {  	v7 =	vadd.f32 v15, v7;
	v12 =	vld [tilespmem:s16+$0x15060];
	s16 =	sshra.s32 s18, $0x2;
	s18 =	sadd.s32 $0x200, s18  }
0x113: {  	v13 =	vld [tilespmem:s16+$0x15070]  }
0x114: {  	v14 =	vld [tilespmem:s16+$0x15000]  }
0x115: {  	v15 =	vld [tilespmem:s16+$0x15010]  }
0x116: {  	v16 =	vld [tilespmem:s16+$0x15020]  }
0x117: {  	v17 =	vld [tilespmem:s16+$0x15030]  }
0x118: {  	v18 =	vld [tilespmem:s16+$0x15040]  }
0x119: {  	v19 =	vld [tilespmem:s16+$0x15050]  }
0x11a: {  	v20 =	vld [tilespmem:s16+$0x15060];
	s18 =	simm.s32 $0x0  }
0x11b: {  	v0 =	vadd.f32 v8, v0;
	v1 =	vadd.f32 v9, v1;
	v9 =	vld [tilespmem:s18+$0x17070]  }
0x11c: {  	v2 =	vadd.f32 v10, v2;
	v10 =	vld [tilespmem:s18+$0x17000];
	v8 =	vadd.f32 v11, v3  }
0x11d: {  	v11 =	vadd.f32 v12, v4;
	v12 =	vadd.f32 v13, v5;
	v13 =	vld [tilespmem:s18+$0x17010]  }
0x11e: {  	v14 =	vadd.f32 v14, v6;
	v15 =	vadd.f32 v15, v7;
	v6 =	vld [tilespmem:s18+$0x17020]  }
0x11f: {  	v5 =	vadd.f32 v16, v0;
	v4 =	vadd.f32 v17, v1;
	v7 =	vld [tilespmem:s18+$0x17030]  }
0x120: {  	v3 =	vadd.f32 v18, v2;
	v2 =	vadd.f32 v19, v8;
	v8 =	vld [tilespmem:s18+$0x17040]  }
0x121: {  	v1 =	vadd.f32 v20, v11;
	v0 =	vadd.f32 v9, v12;
	v9 =	vld [tilespmem:s18+$0x17050]  }
0x122: {  	s14 =	simm.s32 $0x80;
	s16 =	simm.s32 $0x400;
	v10 =	vadd.f32 v10, v14;
	v12 =	vld [tilespmem:s18+$0x17060];
	v11 =	vadd.f32 v13, v15  }
.LBB2_19:
0x123: {  	p0 =	sne.s32 s16, $0x7E00;
	v13 =	vld [tilespmem:s14+$0x17070];
	v5 =	vadd.f32 v6, v5  }
0x124: {  	v14 =	vld [tilespmem:s14+$0x17000];
	v4 =	vadd.f32 v7, v4  }
0x125: {  	v15 =	vld [tilespmem:s14+$0x17010];
	v3 =	vadd.f32 v8, v3  }
.Ltmp8:
0x126: {  	v6 =	vld [tilespmem:s14+$0x17020];
	v2 =	vadd.f32 v9, v2;
	(pc) =	sbr.rel @p0 .LBB2_19-.Ltmp8, $4  }
0x127: {  	v7 =	vld [tilespmem:s14+$0x17030];
	v1 =	vadd.f32 v12, v1  }
0x128: {  	v8 =	vld [tilespmem:s14+$0x17040];
	v0 =	vadd.f32 v13, v0  }
0x129: {  	v10 =	vadd.f32 v14, v10;
	v9 =	vld [tilespmem:s14+$0x17050]  }
0x12a: {  	v11 =	vadd.f32 v15, v11;
	v12 =	vld [tilespmem:s14+$0x17060];
	s14 =	sshra.s32 s16, $0x2;
	s16 =	sadd.s32 $0x200, s16  }
0x12b: {  	v13 =	vld [tilespmem:s14+$0x17000]  }
0x12c: {  	v14 =	vld [tilespmem:s14+$0x17010]  }
0x12d: {  	v15 =	vld [tilespmem:s14+$0x17020]  }
0x12e: {  	v16 =	vld [tilespmem:s14+$0x17030]  }
0x12f: {  	v17 =	vld [tilespmem:s14+$0x17040]  }
0x130: {  	v5 =	vadd.f32 v6, v5;
	v60 =	vld [tilespmem:s14+$0x17050];
	v59 =	vadd.f32 v13, v10  }
0x131: {  	v63 =	vld [tilespmem:s14+$0x17070];
	v4 =	vadd.f32 v7, v4;
	v61 =	vadd.f32 v14, v11  }
0x132: {  	v62 =	vld [tilespmem:s14+$0x17060];
	v3 =	vadd.f32 v8, v3;
	v5 =	vadd.f32 v15, v5;
	v6 =	vmul.f32 $4.999999890e-03, v59  }
0x133: {  	v2 =	vadd.f32 v9, v2;
	v4 =	vadd.f32 v16, v4;
	v7 =	vmul.f32 $4.999999890e-03, v61  }
0x134: {  	v3 =	vadd.f32 v17, v3;
	v5 =	vmul.f32 $4.999999890e-03, v5;
	[tilespmem:s0+$0x19100] =	vst v6  }
0x135: {  	v1 =	vadd.f32 v12, v1;
	v2 =	vadd.f32 v60, v2;
	v4 =	vmul.f32 $4.999999890e-03, v4;
	[tilespmem:s0+$0x19110] =	vst v7  }
0x136: {  	v0 =	vadd.f32 v63, v0;
	v3 =	vmul.f32 $4.999999890e-03, v3;
	[tilespmem:s0+$0x19120] =	vst v5  }
0x137: {  	v1 =	vadd.f32 v62, v1;
	v2 =	vmul.f32 $4.999999890e-03, v2;
	[tilespmem:s0+$0x19130] =	vst v4  }
0x138: {  	v0 =	vmul.f32 $4.999999890e-03, v0;
	[tilespmem:s0+$0x19140] =	vst v3  }
0x139: {  	v1 =	vmul.f32 $4.999999890e-03, v1;
	[tilespmem:s0+$0x19150] =	vst v2  }
0x13a: {  	p0 =	seq.s32 s1, $0x29;
	s12 =	sadd.s32 $0x3E8, s12;
	s1 =	sadd.s32 $0x1, s1;
	[tilespmem:s0+$0x19170] =	vst v0  }
0x13b: {  	s12 =	simm.s32 @p0 $0x190;
	p0 =	sne.s32 s1, $0x2A;
	[tilespmem:s0+$0x19160] =	vst v1  }
0x13c: {  	[tilespmem:s21], [sflag:$0x3] =	stream.indirect.gather [hbm4b:s2+s8], $0x80, s12, s8, $0xb8;
	[tilespmem:$0x1D000] =	vst v63  }
.Ltmp9:
0x13d: {  	_ = 	snop;
	(pc) =	sbr.rel @p0 .LBB2_2-.Ltmp9, $4  }
0x13e: {  	s16 =	sadd.s32 $0x48, s12  }
0x13f: {  	[tilespmem:s23], [sflag:$0x3] =	stream.indirect.gather [hbm4b:s2+s10], $0x80, s16, s10, $0xb8;
	[tilespmem:$0x1D000] =	vst v63  }
0x140: {  	s18 =	sadd.s32 $0x88, s12  }
0x141: {  	[tilespmem:s25], [sflag:$0x3] =	stream.indirect.gather [hbm4b:s2+s10], $0x80, s18, s10, $0xb8;
	[tilespmem:$0x1D000] =	vst v63  }
0x142: {  	_ =	swait.ge [sflag:s26], $0x2400  }
0x143: {  	[sflag:s26] =	ssyncset.done $0x0  }
0x144: {  	[sflag:s26] =	ssyncadd.s32 $0xFFFFDC00  }
0x145: {  	_ =	swait.ge [sflag:s26], $0x2000  }
0x146: {  	[sflag:s26] =	ssyncset.done $0x0  }
0x147: {  	[sflag:s26] =	ssyncadd.s32 $0xFFFFE000  }
0x148: {  	_ =	swait.ge [sflag:s26], $0x2000  }
0x149: {  	[sflag:s26] =	ssyncset.done $0x0  }
0x14a: {  	s0 =	simm.s32 $0x0;
	[sflag:s26] =	ssyncadd.s32 $0xFFFFE000  }
0x14b: {  	v0 =	vld [tilespmem:s0+$0x6470]  }
0x14c: {  	v2 =	vld [tilespmem:s0+$0x6400]  }
0x14d: {  	v4 =	vld [tilespmem:s0+$0x6410]  }
0x14e: {  	v5 =	vld [tilespmem:s0+$0x6420]  }
0x14f: {  	v8 =	vld [tilespmem:s0+$0x6430]  }
0x150: {  	v3 =	vimm.f32 $0.0e+00;
	v9 =	vimm.f32 $0.0e+00;
	v6 =	vld [tilespmem:s0+$0x6440]  }
0x151: {  	v10 =	vimm.f32 $0.0e+00;
	v7 =	vimm.f32 $0.0e+00;
	v11 =	vld [tilespmem:s0+$0x6450];
	v1 =	vadd.f32 v0, v3  }
0x152: {  	s1 =	simm.s32 $0x80;
	s12 =	simm.s32 $0x400;
	v12 =	vld [tilespmem:s0+$0x6460];
	v0 =	vadd.f32 v2, v3;
	v2 =	vadd.f32 v4, v3;
	v4 =	vimm.f32 $0.0e+00  }
.LBB2_22:
0x153: {  	p0 =	sne.s32 s12, $0x8E00;
	v13 =	vld [tilespmem:s1+$0x6470];
	v3 =	vadd.f32 v5, v3  }
0x154: {  	v14 =	vld [tilespmem:s1+$0x6400];
	v4 =	vadd.f32 v8, v4  }
0x155: {  	v15 =	vld [tilespmem:s1+$0x6410];
	v9 =	vadd.f32 v6, v9  }
.Ltmp10:
0x156: {  	v5 =	vld [tilespmem:s1+$0x6420];
	v10 =	vadd.f32 v11, v10;
	(pc) =	sbr.rel @p0 .LBB2_22-.Ltmp10, $4  }
0x157: {  	v8 =	vld [tilespmem:s1+$0x6430];
	v7 =	vadd.f32 v12, v7  }
0x158: {  	v6 =	vld [tilespmem:s1+$0x6440];
	v1 =	vadd.f32 v13, v1  }
0x159: {  	v0 =	vadd.f32 v14, v0;
	v11 =	vld [tilespmem:s1+$0x6450]  }
0x15a: {  	v2 =	vadd.f32 v15, v2;
	v12 =	vld [tilespmem:s1+$0x6460];
	s1 =	sshra.s32 s12, $0x2;
	s12 =	sadd.s32 $0x200, s12  }
0x15b: {  	v13 =	vld [tilespmem:s1+$0x6470]  }
0x15c: {  	v14 =	vld [tilespmem:s1+$0x6400]  }
0x15d: {  	v15 =	vld [tilespmem:s1+$0x6410]  }
0x15e: {  	v16 =	vld [tilespmem:s1+$0x6420]  }
0x15f: {  	v17 =	vld [tilespmem:s1+$0x6430]  }
0x160: {  	v18 =	vld [tilespmem:s1+$0x6440]  }
0x161: {  	v19 =	vld [tilespmem:s1+$0x6450]  }
0x162: {  	v20 =	vld [tilespmem:s1+$0x6460]  }
0x163: {  	v3 =	vadd.f32 v5, v3;
	v5 =	vld [tilespmem:s0+$0x8870];
	v4 =	vadd.f32 v8, v4  }
0x164: {  	v21 =	vld [tilespmem:s0+$0x8800];
	v6 =	vadd.f32 v6, v9;
	v10 =	vadd.f32 v11, v10  }
0x165: {  	v7 =	vadd.f32 v12, v7;
	v12 =	vld [tilespmem:s0+$0x8810];
	v11 =	vadd.f32 v13, v1  }
0x166: {  	v8 =	vld [tilespmem:s0+$0x8820];
	v13 =	vadd.f32 v14, v0;
	v14 =	vadd.f32 v15, v2  }
0x167: {  	v9 =	vld [tilespmem:s0+$0x8830];
	v0 =	vadd.f32 v16, v3;
	v1 =	vadd.f32 v17, v4  }
0x168: {  	v2 =	vadd.f32 v18, v6;
	v3 =	vadd.f32 v19, v10;
	v10 =	vld [tilespmem:s0+$0x8840]  }
0x169: {  	v4 =	vadd.f32 v20, v7;
	v5 =	vadd.f32 v5, v11;
	v11 =	vld [tilespmem:s0+$0x8850]  }
0x16a: {  	s1 =	simm.s32 $0x80;
	s12 =	simm.s32 $0x400;
	v6 =	vadd.f32 v21, v13;
	v7 =	vadd.f32 v12, v14;
	v12 =	vld [tilespmem:s0+$0x8860]  }
.LBB2_24:
0x16b: {  	p0 =	sne.s32 s12, $0x7E00;
	v13 =	vld [tilespmem:s1+$0x8870];
	v0 =	vadd.f32 v8, v0  }
0x16c: {  	v14 =	vld [tilespmem:s1+$0x8800];
	v1 =	vadd.f32 v9, v1  }
0x16d: {  	v15 =	vld [tilespmem:s1+$0x8810];
	v2 =	vadd.f32 v10, v2  }
.Ltmp11:
0x16e: {  	v8 =	vld [tilespmem:s1+$0x8820];
	v3 =	vadd.f32 v11, v3;
	(pc) =	sbr.rel @p0 .LBB2_24-.Ltmp11, $4  }
0x16f: {  	v9 =	vld [tilespmem:s1+$0x8830];
	v4 =	vadd.f32 v12, v4  }
0x170: {  	v10 =	vld [tilespmem:s1+$0x8840];
	v5 =	vadd.f32 v13, v5  }
0x171: {  	v6 =	vadd.f32 v14, v6;
	v11 =	vld [tilespmem:s1+$0x8850]  }
0x172: {  	v7 =	vadd.f32 v15, v7;
	v12 =	vld [tilespmem:s1+$0x8860];
	s1 =	sshra.s32 s12, $0x2;
	s12 =	sadd.s32 $0x200, s12  }
0x173: {  	v13 =	vld [tilespmem:s1+$0x8870]  }
0x174: {  	v14 =	vld [tilespmem:s1+$0x8800]  }
0x175: {  	v15 =	vld [tilespmem:s1+$0x8810]  }
0x176: {  	v16 =	vld [tilespmem:s1+$0x8820]  }
0x177: {  	v17 =	vld [tilespmem:s1+$0x8830]  }
0x178: {  	v18 =	vld [tilespmem:s1+$0x8840]  }
0x179: {  	v19 =	vld [tilespmem:s1+$0x8850]  }
0x17a: {  	v20 =	vld [tilespmem:s1+$0x8860];
	s12 =	simm.s32 $0x0  }
0x17b: {  	v0 =	vadd.f32 v8, v0;
	v1 =	vadd.f32 v9, v1;
	v9 =	vld [tilespmem:s12+$0xA870]  }
0x17c: {  	v2 =	vadd.f32 v10, v2;
	v10 =	vld [tilespmem:s12+$0xA800];
	v8 =	vadd.f32 v11, v3  }
0x17d: {  	v11 =	vadd.f32 v12, v4;
	v12 =	vadd.f32 v13, v5;
	v13 =	vld [tilespmem:s12+$0xA810]  }
0x17e: {  	v14 =	vadd.f32 v14, v6;
	v15 =	vadd.f32 v15, v7;
	v6 =	vld [tilespmem:s12+$0xA820]  }
0x17f: {  	v5 =	vadd.f32 v16, v0;
	v4 =	vadd.f32 v17, v1;
	v7 =	vld [tilespmem:s12+$0xA830]  }
0x180: {  	v3 =	vadd.f32 v18, v2;
	v2 =	vadd.f32 v19, v8;
	v8 =	vld [tilespmem:s12+$0xA840]  }
0x181: {  	v1 =	vadd.f32 v20, v11;
	v0 =	vadd.f32 v9, v12;
	v9 =	vld [tilespmem:s12+$0xA850]  }
0x182: {  	s0 =	simm.s32 $0x80;
	s1 =	simm.s32 $0x400;
	v10 =	vadd.f32 v10, v14;
	v12 =	vld [tilespmem:s12+$0xA860];
	v11 =	vadd.f32 v13, v15  }
.LBB2_26:
0x183: {  	p0 =	sne.s32 s1, $0x7E00;
	v13 =	vld [tilespmem:s0+$0xA870];
	v5 =	vadd.f32 v6, v5  }
0x184: {  	v14 =	vld [tilespmem:s0+$0xA800];
	v4 =	vadd.f32 v7, v4  }
0x185: {  	v15 =	vld [tilespmem:s0+$0xA810];
	v3 =	vadd.f32 v8, v3  }
.Ltmp12:
0x186: {  	v6 =	vld [tilespmem:s0+$0xA820];
	v2 =	vadd.f32 v9, v2;
	(pc) =	sbr.rel @p0 .LBB2_26-.Ltmp12, $4  }
0x187: {  	v7 =	vld [tilespmem:s0+$0xA830];
	v1 =	vadd.f32 v12, v1  }
0x188: {  	v8 =	vld [tilespmem:s0+$0xA840];
	v0 =	vadd.f32 v13, v0  }
0x189: {  	v10 =	vadd.f32 v14, v10;
	v9 =	vld [tilespmem:s0+$0xA850]  }
0x18a: {  	v11 =	vadd.f32 v15, v11;
	v12 =	vld [tilespmem:s0+$0xA860];
	s0 =	sshra.s32 s1, $0x2;
	s1 =	sadd.s32 $0x200, s1  }
0x18b: {  	v13 =	vld [tilespmem:s0+$0xA800]  }
0x18c: {  	v14 =	vld [tilespmem:s0+$0xA810]  }
0x18d: {  	v15 =	vld [tilespmem:s0+$0xA820]  }
0x18e: {  	v16 =	vld [tilespmem:s0+$0xA830]  }
0x18f: {  	v17 =	vld [tilespmem:s0+$0xA840];
	v5 =	vadd.f32 v6, v5  }
0x190: {  	v3 =	vadd.f32 v8, v3;
	v8 =	vld [tilespmem:s0+$0xA870];
	v6 =	vadd.f32 v13, v10  }
0x191: {  	v4 =	vadd.f32 v7, v4;
	v10 =	vld [tilespmem:s0+$0xA850];
	v7 =	vadd.f32 v14, v11  }
0x192: {  	v11 =	vld [tilespmem:s0+$0xA860];
	v5 =	vadd.f32 v15, v5;
	v6 =	vmul.f32 $4.999999890e-03, v6  }
0x193: {  	v4 =	vadd.f32 v16, v4;
	v7 =	vmul.f32 $4.999999890e-03, v7  }
0x194: {  	v2 =	vadd.f32 v9, v2;
	v3 =	vadd.f32 v17, v3;
	v5 =	vmul.f32 $4.999999890e-03, v5;
	[tilespmem:$0x1CF00] =	vst v6  }
0x195: {  	v1 =	vadd.f32 v12, v1;
	v4 =	vmul.f32 $4.999999890e-03, v4;
	v0 =	vadd.f32 v8, v0;
	[tilespmem:$0x1CF10] =	vst v7  }
0x196: {  	v3 =	vmul.f32 $4.999999890e-03, v3;
	[tilespmem:$0x1CF20] =	vst v5;
	v2 =	vadd.f32 v10, v2  }
0x197: {  	[tilespmem:$0x1CF30] =	vst v4;
	v0 =	vmul.f32 $4.999999890e-03, v0;
	v1 =	vadd.f32 v11, v1  }
0x198: {  	[tilespmem:$0x1CF40] =	vst v3;
	v2 =	vmul.f32 $4.999999890e-03, v2  }
0x199: {  	[tilespmem:$0x1CF70] =	vst v0;
	v1 =	vmul.f32 $4.999999890e-03, v1  }
0x19a: {  	[tilespmem:$0x1CF50] =	vst v2  }
0x19b: {  	[tilespmem:$0x1CF60] =	vst v1  }
0x19c: {  	_ =	swait.ge [sflag:s28], $0x2400  }
0x19d: {  	[sflag:s28] =	ssyncset.done $0x0  }
0x19e: {  	[sflag:s28] =	ssyncadd.s32 $0xFFFFDC00  }
0x19f: {  	_ =	swait.ge [sflag:s28], $0x2000  }
0x1a0: {  	[sflag:s28] =	ssyncset.done $0x0  }
0x1a1: {  	[sflag:s28] =	ssyncadd.s32 $0xFFFFE000  }
0x1a2: {  	_ =	swait.ge [sflag:s28], $0x2000  }
0x1a3: {  	[sflag:s28] =	ssyncset.done $0x0  }
0x1a4: {  	s0 =	simm.s32 $0x0;
	[sflag:s28] =	ssyncadd.s32 $0xFFFFE000  }
0x1a5: {  	v0 =	vld [tilespmem:s0+$0xC870]  }
0x1a6: {  	v2 =	vld [tilespmem:s0+$0xC800]  }
0x1a7: {  	v4 =	vld [tilespmem:s0+$0xC810]  }
0x1a8: {  	v5 =	vld [tilespmem:s0+$0xC820]  }
0x1a9: {  	v8 =	vld [tilespmem:s0+$0xC830]  }
0x1aa: {  	v9 =	vimm.f32 $0.0e+00;
	v3 =	vimm.f32 $0.0e+00;
	v6 =	vld [tilespmem:s0+$0xC840]  }
0x1ab: {  	v7 =	vimm.f32 $0.0e+00;
	v10 =	vimm.f32 $0.0e+00;
	v11 =	vld [tilespmem:s0+$0xC850];
	v1 =	vadd.f32 v0, v3  }
0x1ac: {  	s1 =	simm.s32 $0x80;
	s12 =	simm.s32 $0x400;
	v12 =	vld [tilespmem:s0+$0xC860];
	v0 =	vadd.f32 v2, v3;
	v2 =	vadd.f32 v4, v3;
	v4 =	vimm.f32 $0.0e+00  }
.LBB2_28:
0x1ad: {  	p0 =	sne.s32 s12, $0x8E00;
	v13 =	vld [tilespmem:s1+$0xC870];
	v3 =	vadd.f32 v5, v3  }
0x1ae: {  	v14 =	vld [tilespmem:s1+$0xC800];
	v4 =	vadd.f32 v8, v4  }
0x1af: {  	v15 =	vld [tilespmem:s1+$0xC810];
	v9 =	vadd.f32 v6, v9  }
.Ltmp13:
0x1b0: {  	v5 =	vld [tilespmem:s1+$0xC820];
	v10 =	vadd.f32 v11, v10;
	(pc) =	sbr.rel @p0 .LBB2_28-.Ltmp13, $4  }
0x1b1: {  	v8 =	vld [tilespmem:s1+$0xC830];
	v7 =	vadd.f32 v12, v7  }
0x1b2: {  	v6 =	vld [tilespmem:s1+$0xC840];
	v1 =	vadd.f32 v13, v1  }
0x1b3: {  	v0 =	vadd.f32 v14, v0;
	v11 =	vld [tilespmem:s1+$0xC850]  }
0x1b4: {  	v2 =	vadd.f32 v15, v2;
	v12 =	vld [tilespmem:s1+$0xC860];
	s1 =	sshra.s32 s12, $0x2;
	s12 =	sadd.s32 $0x200, s12  }
0x1b5: {  	v13 =	vld [tilespmem:s1+$0xC870]  }
0x1b6: {  	v14 =	vld [tilespmem:s1+$0xC800]  }
0x1b7: {  	v15 =	vld [tilespmem:s1+$0xC810]  }
0x1b8: {  	v16 =	vld [tilespmem:s1+$0xC820]  }
0x1b9: {  	v17 =	vld [tilespmem:s1+$0xC830]  }
0x1ba: {  	v18 =	vld [tilespmem:s1+$0xC840]  }
0x1bb: {  	v19 =	vld [tilespmem:s1+$0xC850]  }
0x1bc: {  	v20 =	vld [tilespmem:s1+$0xC860]  }
0x1bd: {  	v3 =	vadd.f32 v5, v3;
	v5 =	vld [tilespmem:s0+$0xEC70];
	v4 =	vadd.f32 v8, v4  }
0x1be: {  	v21 =	vld [tilespmem:s0+$0xEC00];
	v6 =	vadd.f32 v6, v9;
	v10 =	vadd.f32 v11, v10  }
0x1bf: {  	v7 =	vadd.f32 v12, v7;
	v12 =	vld [tilespmem:s0+$0xEC10];
	v11 =	vadd.f32 v13, v1  }
0x1c0: {  	v8 =	vld [tilespmem:s0+$0xEC20];
	v13 =	vadd.f32 v14, v0;
	v14 =	vadd.f32 v15, v2  }
0x1c1: {  	v9 =	vld [tilespmem:s0+$0xEC30];
	v0 =	vadd.f32 v16, v3;
	v1 =	vadd.f32 v17, v4  }
0x1c2: {  	v2 =	vadd.f32 v18, v6;
	v3 =	vadd.f32 v19, v10;
	v10 =	vld [tilespmem:s0+$0xEC40]  }
0x1c3: {  	v4 =	vadd.f32 v20, v7;
	v5 =	vadd.f32 v5, v11;
	v11 =	vld [tilespmem:s0+$0xEC50]  }
0x1c4: {  	s1 =	simm.s32 $0x80;
	s12 =	simm.s32 $0x400;
	v6 =	vadd.f32 v21, v13;
	v7 =	vadd.f32 v12, v14;
	v12 =	vld [tilespmem:s0+$0xEC60]  }
.LBB2_30:
0x1c5: {  	p0 =	sne.s32 s12, $0x7E00;
	v13 =	vld [tilespmem:s1+$0xEC70];
	v0 =	vadd.f32 v8, v0  }
0x1c6: {  	v14 =	vld [tilespmem:s1+$0xEC00];
	v1 =	vadd.f32 v9, v1  }
0x1c7: {  	v15 =	vld [tilespmem:s1+$0xEC10];
	v2 =	vadd.f32 v10, v2  }
.Ltmp14:
0x1c8: {  	v8 =	vld [tilespmem:s1+$0xEC20];
	v3 =	vadd.f32 v11, v3;
	(pc) =	sbr.rel @p0 .LBB2_30-.Ltmp14, $4  }
0x1c9: {  	v9 =	vld [tilespmem:s1+$0xEC30];
	v4 =	vadd.f32 v12, v4  }
0x1ca: {  	v10 =	vld [tilespmem:s1+$0xEC40];
	v5 =	vadd.f32 v13, v5  }
0x1cb: {  	v6 =	vadd.f32 v14, v6;
	v11 =	vld [tilespmem:s1+$0xEC50]  }
0x1cc: {  	v7 =	vadd.f32 v15, v7;
	v12 =	vld [tilespmem:s1+$0xEC60];
	s1 =	sshra.s32 s12, $0x2;
	s12 =	sadd.s32 $0x200, s12  }
0x1cd: {  	v13 =	vld [tilespmem:s1+$0xEC70]  }
0x1ce: {  	v14 =	vld [tilespmem:s1+$0xEC00]  }
0x1cf: {  	v15 =	vld [tilespmem:s1+$0xEC10]  }
0x1d0: {  	v16 =	vld [tilespmem:s1+$0xEC20]  }
0x1d1: {  	v17 =	vld [tilespmem:s1+$0xEC30]  }
0x1d2: {  	v18 =	vld [tilespmem:s1+$0xEC40]  }
0x1d3: {  	v19 =	vld [tilespmem:s1+$0xEC50]  }
0x1d4: {  	v20 =	vld [tilespmem:s1+$0xEC60];
	s12 =	simm.s32 $0x0  }
0x1d5: {  	v0 =	vadd.f32 v8, v0;
	v1 =	vadd.f32 v9, v1;
	v9 =	vld [tilespmem:s12+$0x10C70]  }
0x1d6: {  	v2 =	vadd.f32 v10, v2;
	v10 =	vld [tilespmem:s12+$0x10C00];
	v8 =	vadd.f32 v11, v3  }
0x1d7: {  	v11 =	vadd.f32 v12, v4;
	v12 =	vadd.f32 v13, v5;
	v13 =	vld [tilespmem:s12+$0x10C10]  }
0x1d8: {  	v14 =	vadd.f32 v14, v6;
	v15 =	vadd.f32 v15, v7;
	v6 =	vld [tilespmem:s12+$0x10C20]  }
0x1d9: {  	v5 =	vadd.f32 v16, v0;
	v4 =	vadd.f32 v17, v1;
	v7 =	vld [tilespmem:s12+$0x10C30]  }
0x1da: {  	v3 =	vadd.f32 v18, v2;
	v2 =	vadd.f32 v19, v8;
	v8 =	vld [tilespmem:s12+$0x10C40]  }
0x1db: {  	v1 =	vadd.f32 v20, v11;
	v0 =	vadd.f32 v9, v12;
	v9 =	vld [tilespmem:s12+$0x10C50]  }
0x1dc: {  	s0 =	simm.s32 $0x80;
	s1 =	simm.s32 $0x400;
	v10 =	vadd.f32 v10, v14;
	v12 =	vld [tilespmem:s12+$0x10C60];
	v11 =	vadd.f32 v13, v15  }
.LBB2_32:
0x1dd: {  	p0 =	sne.s32 s1, $0x7E00;
	v13 =	vld [tilespmem:s0+$0x10C70];
	v5 =	vadd.f32 v6, v5  }
0x1de: {  	v14 =	vld [tilespmem:s0+$0x10C00];
	v4 =	vadd.f32 v7, v4  }
0x1df: {  	v15 =	vld [tilespmem:s0+$0x10C10];
	v3 =	vadd.f32 v8, v3  }
.Ltmp15:
0x1e0: {  	v6 =	vld [tilespmem:s0+$0x10C20];
	v2 =	vadd.f32 v9, v2;
	(pc) =	sbr.rel @p0 .LBB2_32-.Ltmp15, $4  }
0x1e1: {  	v7 =	vld [tilespmem:s0+$0x10C30];
	v1 =	vadd.f32 v12, v1  }
0x1e2: {  	v8 =	vld [tilespmem:s0+$0x10C40];
	v0 =	vadd.f32 v13, v0  }
0x1e3: {  	v10 =	vadd.f32 v14, v10;
	v9 =	vld [tilespmem:s0+$0x10C50]  }
0x1e4: {  	v11 =	vadd.f32 v15, v11;
	v12 =	vld [tilespmem:s0+$0x10C60];
	s0 =	sshra.s32 s1, $0x2;
	s1 =	sadd.s32 $0x200, s1  }
0x1e5: {  	v13 =	vld [tilespmem:s0+$0x10C00]  }
0x1e6: {  	v14 =	vld [tilespmem:s0+$0x10C10]  }
0x1e7: {  	v15 =	vld [tilespmem:s0+$0x10C20]  }
0x1e8: {  	v16 =	vld [tilespmem:s0+$0x10C30]  }
0x1e9: {  	v17 =	vld [tilespmem:s0+$0x10C40]  }
0x1ea: {  	v5 =	vadd.f32 v6, v5;
	v60 =	vld [tilespmem:s0+$0x10C50];
	v59 =	vadd.f32 v13, v10  }
0x1eb: {  	v63 =	vld [tilespmem:s0+$0x10C70];
	v4 =	vadd.f32 v7, v4;
	v61 =	vadd.f32 v14, v11  }
0x1ec: {  	v62 =	vld [tilespmem:s0+$0x10C60];
	v3 =	vadd.f32 v8, v3;
	v5 =	vadd.f32 v15, v5;
	v6 =	vmul.f32 $4.999999890e-03, v59  }
0x1ed: {  	v2 =	vadd.f32 v9, v2;
	v4 =	vadd.f32 v16, v4;
	v7 =	vmul.f32 $4.999999890e-03, v61  }
0x1ee: {  	v3 =	vadd.f32 v17, v3;
	v5 =	vmul.f32 $4.999999890e-03, v5;
	[tilespmem:$0x1CF80] =	vst v6  }
0x1ef: {  	v1 =	vadd.f32 v12, v1;
	v2 =	vadd.f32 v60, v2;
	v4 =	vmul.f32 $4.999999890e-03, v4;
	[tilespmem:$0x1CF90] =	vst v7  }
0x1f0: {  	v0 =	vadd.f32 v63, v0;
	v3 =	vmul.f32 $4.999999890e-03, v3;
	[tilespmem:$0x1CFA0] =	vst v5  }
0x1f1: {  	v1 =	vadd.f32 v62, v1;
	v2 =	vmul.f32 $4.999999890e-03, v2;
	[tilespmem:$0x1CFB0] =	vst v4  }
0x1f2: {  	v0 =	vmul.f32 $4.999999890e-03, v0;
	[tilespmem:$0x1CFC0] =	vst v3  }
0x1f3: {  	v1 =	vmul.f32 $4.999999890e-03, v1;
	[tilespmem:$0x1CFD0] =	vst v2  }
0x1f4: {  	[tilespmem:$0x1CFF0] =	vst v0  }
0x1f5: {  	[tilespmem:$0x1CFE0] =	vst v1  }
0x1f6: {  	_ =	swait.ge [sflag:s29], $0x2400  }
0x1f7: {  	[sflag:s29] =	ssyncset.done $0x0  }
0x1f8: {  	[sflag:s29] =	ssyncadd.s32 $0xFFFFDC00  }
0x1f9: {  	_ =	swait.ge [sflag:s29], $0x2000  }
0x1fa: {  	[sflag:s29] =	ssyncset.done $0x0  }
0x1fb: {  	[sflag:s29] =	ssyncadd.s32 $0xFFFFE000  }
0x1fc: {  	s31 =	sadd.s32 $0x1, s31;
	_ =	swait.ge [sflag:s29], $0x2000  }
0x1fd: {  	p0 =	sne.s32 s31, s6;
	[sflag:s29] =	ssyncset.done $0x0  }
.Ltmp16:
0x1fe: {  	[sflag:s29] =	ssyncadd.s32 $0xFFFFE000;
	(pc) =	sbr.rel @p0 .LBB2_1-.Ltmp16, $4  }
0x1ff: {  	[hbm4b:s5+s3] =	stream.linear.scatter [tilespmem:s30], [sflag:$0x4], $0x4000, $0x38;
	[tilespmem:$0x1D000] =	vst v63  }
0x200: {  	_ =	swait.ge [sflag:s7], $0x4000  }
0x201: {  	[sflag:s7] =	ssyncset.done $0x0  }
0x202: {  	[sflag:s7] =	ssyncadd.s32 $0xFFFFC000  }
0x203: {  	_ =	sfence.sel $0x180000  }
0x204: {  	[bflag:$0x0] =	sbarrier.arrive $0xFFFF  }
0x205: {  	_ =	strace $0x90000047  }
0x206: {  	s0 =	stileid.u32;
	[bflag:$0x2] =	sbarrier.arrive $0xFFFF  }
0x207: {  	p0 =	sne.s32 s0, $0x0;
	s0 =	rddreg [dreg:$0x2]  }
0x208: {  	s0 =	sadd.s32 @!p0 $0x100000, s0  }
0x209: {  	[sflag:s0] =	ssyncadd.tile.s32 @!p0 $0x1;
	_ =	shalt  }
.Lfunc_end2:
_tile_overlayer_lowered:
.L_overlay_start_2:
0x20a: {  	(tag) =	ssettag $0x2  }
0x20b: {  	s0 =	rddreg [dreg:$0x0];
	s2 =	stileid.u32  }
0x20c: {  	s1 =	rddreg [dreg:$0x1];
	p0 =	sne.s32 s2, $0x0  }
0x20d: {  	s3 =	rddreg [dreg:$0x2];
	[bflag:$0x3] =	sbarrier.arrive $0xFFFF;
	s2 =	simm.s32 @!p0 $0x1C04  }
0x20e: {  	[timem:s3], [sflag:s2] =	dma.local @!p0 [hbm:s0], s1  }
0x20f: {  	s0 =	simm.s32 @!p0 $0x4  }
0x210: {  	_ =	swait.ge @!p0 [sflag:s0], s1  }
0x211: {  	s1 =	ssub.s32 @!p0 $0x0, s1;
	[sflag:s0] =	ssyncset.done @!p0 $0x0  }
0x212: {  	[sflag:s0] =	ssyncadd.s32 @!p0 s1  }
0x213: {  	[bflag:$0x3] =	sbarrier.arrive $0xFFFF  }
0x214: {  	_ =	shalt  }

</sc_bundles>
